<compile_context>
chip_gen: v7x
topology: tpu7x:2x2x1
jax: 0.10.2.dev20260603
libtpu: 0.0.44.dev20260713+nightly
codegen_flags: <defaults>
</compile_context>

<pallas_src>
import functools

import jax
import jax.numpy as jnp
from jax import lax
from jax.experimental import pallas as pl
from jax.experimental.pallas import tpu as pltpu
from jax.experimental.pallas import tpu_sc as plsc

H = 8
C = 64
HC = H * C
PW = 128
NC = 2
NS = 16
NW = NC * NS
CB = 80
CD = 40
LEAK = 0.2



def _proj_kernel(x_ref, w_ref, as_ref, ad_ref, h_ref, aso_ref, ado_ref):
    h = jnp.dot(x_ref[...], w_ref[...], preferred_element_type=jnp.float32)
    h_ref[...] = h
    aso_ref[...] = jnp.dot(h, as_ref[...], preferred_element_type=jnp.float32)
    ado_ref[...] = jnp.dot(h, ad_ref[...], preferred_element_type=jnp.float32)


def _project(x, w, as128, ad128, n_blk):
    n, in_dim = x.shape
    grid = (n // n_blk,)
    return pl.pallas_call(
        _proj_kernel,
        grid=grid,
        in_specs=[
            pl.BlockSpec((n_blk, in_dim), lambda i: (i, 0)),
            pl.BlockSpec((in_dim, HC), lambda i: (0, 0)),
            pl.BlockSpec((HC, PW), lambda i: (0, 0)),
            pl.BlockSpec((HC, PW), lambda i: (0, 0)),
        ],
        out_specs=[
            pl.BlockSpec((n_blk, HC), lambda i: (i, 0)),
            pl.BlockSpec((n_blk, PW), lambda i: (i, 0)),
            pl.BlockSpec((n_blk, PW), lambda i: (i, 0)),
        ],
        out_shape=[
            jax.ShapeDtypeStruct((n, HC), jnp.float32),
            jax.ShapeDtypeStruct((n, PW), jnp.float32),
            jax.ShapeDtypeStruct((n, PW), jnp.float32),
        ],
    )(x, w, as128, ad128)



def _edge_softmax_denom(asrc128, adst128, zeros16, src, dst, n, e):
    epw = e // NW
    nchunks = epw // CB
    dtiles = 10
    rpt = n // dtiles
    mesh = plsc.VectorSubcoreMesh(core_axis_name="c", subcore_axis_name="s")

    @functools.partial(
        pl.kernel,
        out_type=[
            jax.ShapeDtypeStruct((e, 16), jnp.float32),
            jax.ShapeDtypeStruct((NC, n, PW), jnp.float32),
        ],
        mesh=mesh,
        scratch_types=[
            pltpu.VMEM((CB,), jnp.int32),
            pltpu.VMEM((CB,), jnp.int32),
            pltpu.VMEM((CB, PW), jnp.float32),
            pltpu.VMEM((CB, PW), jnp.float32),
            pltpu.VMEM((CB, 16), jnp.float32),
            pltpu.VMEM((CB, PW), jnp.float32),
            pltpu.VMEM_SHARED((n, PW), jnp.float32),
            pltpu.SemaphoreType.DMA,
            pltpu.SemaphoreType.DMA,
        ],
    )
    def body(asrc_hbm, adst_hbm, z_hbm, src_hbm, dst_hbm, ex_hbm, den_hbm,
             idx_s, idx_d, as_v, ad_v, ex_v, ex128_v, den_sh, sem1, sem2):
        cid = lax.axis_index("c")
        sid = lax.axis_index("s")
        wid = cid * NS + sid

        @pl.when(sid < dtiles)
        def _init():
            pltpu.sync_copy(z_hbm.at[pl.ds(sid * rpt, rpt)],
                            den_sh.at[pl.ds(sid * rpt, rpt)])

        def zrow(i, _):
            for k in range(PW // 16):
                ex128_v[i, pl.ds(k * 16, 16)] = jnp.zeros((16,), jnp.float32)
            return 0
        lax.fori_loop(0, CB, zrow, 0)
        plsc.subcore_barrier()

        def chunk(g, _):
            base = wid * epw + g * CB
            pltpu.sync_copy(src_hbm.at[pl.ds(base, CB)], idx_s)
            pltpu.sync_copy(dst_hbm.at[pl.ds(base, CB)], idx_d)
            cpa = pltpu.async_copy(asrc_hbm.at[idx_s], as_v, sem1)
            cpb = pltpu.async_copy(adst_hbm.at[idx_d], ad_v, sem2)
            cpa.wait()
            cpb.wait()

            def row(i, _):
                al = as_v[i, pl.ds(0, 16)] + ad_v[i, pl.ds(0, 16)]
                al = jnp.maximum(al, LEAK * al)
                exv = jnp.exp(al)
                ex_v[i] = exv
                ex128_v[i, pl.ds(0, 16)] = exv
                return 0
            lax.fori_loop(0, CB, row, 0)
            pltpu.sync_copy(ex_v, ex_hbm.at[pl.ds(base, CB)])
            pltpu.sync_copy(ex128_v, den_sh.at[idx_d], add=True)
            return 0
        lax.fori_loop(0, nchunks, chunk, 0)

        plsc.subcore_barrier()

        @pl.when(sid < dtiles)
        def _drain():
            pltpu.sync_copy(den_sh.at[pl.ds(sid * rpt, rpt)],
                            den_hbm.at[cid, pl.ds(sid * rpt, rpt)])

    return body(asrc128, adst128, zeros16, src, dst)



def _recip_kernel(d0_ref, d1_ref, r_ref):
    s = d0_ref[...] + d1_ref[...]
    r_ref[...] = 1.0 / (float(H) * s + float(H) * 1e-16)


def _recip(d0, d1, n, n_blk):
    grid = (n // n_blk,)
    return pl.pallas_call(
        _recip_kernel,
        grid=grid,
        in_specs=[
            pl.BlockSpec((n_blk, PW), lambda i: (i, 0)),
            pl.BlockSpec((n_blk, PW), lambda i: (i, 0)),
        ],
        out_specs=pl.BlockSpec((n_blk, PW), lambda i: (i, 0)),
        out_shape=jax.ShapeDtypeStruct((n, PW), jnp.float32),
    )(d0, d1)



def _edge_aggregate(h, ex, recip128, zeros64, src, dst, n, e):
    epw = e // NW
    nchunks = epw // CD
    dtiles = 10
    rpt = n // dtiles
    mesh = plsc.VectorSubcoreMesh(core_axis_name="c", subcore_axis_name="s")

    @functools.partial(
        pl.kernel,
        out_type=jax.ShapeDtypeStruct((NC, n, PW), jnp.float32),
        mesh=mesh,
        scratch_types=[
            pltpu.VMEM((CD,), jnp.int32),
            pltpu.VMEM((CD,), jnp.int32),
            pltpu.VMEM((CD, HC), jnp.float32),
            pltpu.VMEM((CD, 16), jnp.float32),
            pltpu.VMEM((CD, PW), jnp.float32),
            pltpu.VMEM((CD, PW), jnp.float32),
            pltpu.VMEM_SHARED((n, PW), jnp.float32),
            pltpu.SemaphoreType.DMA,
            pltpu.SemaphoreType.DMA,
        ],
    )
    def body(h_hbm, ex_hbm, rcp_hbm, z_hbm, src_hbm, dst_hbm, out_hbm,
             idx_s, idx_d, hrows, ex_v, rcp_v, m_v, acc_sh, sem1, sem2):
        cid = lax.axis_index("c")
        sid = lax.axis_index("s")
        wid = cid * NS + sid

        @pl.when(sid < dtiles)
        def _init():
            pltpu.sync_copy(z_hbm.at[pl.ds(sid * rpt, rpt)],
                            acc_sh.at[pl.ds(sid * rpt, rpt)])

        def zrow(i, _):
            for k in range(PW // 16):
                m_v[i, pl.ds(k * 16, 16)] = jnp.zeros((16,), jnp.float32)
            return 0
        lax.fori_loop(0, CD, zrow, 0)
        plsc.subcore_barrier()

        def chunk(g, _):
            base = wid * epw + g * CD
            pltpu.sync_copy(src_hbm.at[pl.ds(base, CD)], idx_s)
            pltpu.sync_copy(dst_hbm.at[pl.ds(base, CD)], idx_d)
            cph = pltpu.async_copy(h_hbm.at[idx_s], hrows, sem1)
            cpr = pltpu.async_copy(rcp_hbm.at[idx_d], rcp_v, sem2)
            pltpu.sync_copy(ex_hbm.at[pl.ds(base, CD)], ex_v)
            cpr.wait()
            cph.wait()

            def row(b, _):
                att = ex_v[b] * rcp_v[b, pl.ds(0, 16)]
                accs = [jnp.zeros((16,), jnp.float32) for _ in range(C // 16)]
                for j in range(H):
                    sv = jnp.full((16,), att[j], jnp.float32)
                    for k in range(C // 16):
                        accs[k] = accs[k] + sv * hrows[b, pl.ds(j * C + k * 16, 16)]
                for k in range(C // 16):
                    m_v[b, pl.ds(k * 16, 16)] = accs[k]
                return 0
            lax.fori_loop(0, CD, row, 0)
            pltpu.sync_copy(m_v, acc_sh.at[idx_d], add=True)
            return 0
        lax.fori_loop(0, nchunks, chunk, 0)

        plsc.subcore_barrier()

        @pl.when(sid < dtiles)
        def _drain():
            pltpu.sync_copy(acc_sh.at[pl.ds(sid * rpt, rpt)],
                            out_hbm.at[cid, pl.ds(sid * rpt, rpt)])

    return body(h, ex, recip128, zeros64, src, dst)



def _final_kernel(p0_ref, p1_ref, b_ref, o_ref):
    s = p0_ref[...] + p1_ref[...]
    o_ref[...] = jnp.maximum(s[:, :C] + b_ref[...], 0.0)


def _finalize(p0, p1, bias2d, n, n_blk):
    grid = (n // n_blk,)
    return pl.pallas_call(
        _final_kernel,
        grid=grid,
        in_specs=[
            pl.BlockSpec((n_blk, PW), lambda i: (i, 0)),
            pl.BlockSpec((n_blk, PW), lambda i: (i, 0)),
            pl.BlockSpec((1, C), lambda i: (0, 0)),
        ],
        out_specs=pl.BlockSpec((n_blk, C), lambda i: (i, 0)),
        out_shape=jax.ShapeDtypeStruct((n, C), jnp.float32),
    )(p0, p1, bias2d)



def kernel(x, edge_index, W, att_src, att_dst, bias):
    n, in_dim = x.shape
    e = edge_index.shape[1]

    edge_index = edge_index.astype(jnp.int32)
    src = edge_index[0]
    dst = edge_index[1]

    eye_h = jnp.eye(H, dtype=jnp.float32)
    as_proj = (eye_h[:, None, :] * att_src[:, :, None]).reshape(HC, H)
    ad_proj = (eye_h[:, None, :] * att_dst[:, :, None]).reshape(HC, H)
    as128 = jnp.pad(as_proj, ((0, 0), (0, PW - H)))
    ad128 = jnp.pad(ad_proj, ((0, 0), (0, PW - H)))

    zeros128 = jnp.zeros((n, PW), jnp.float32)

    h, asrc128, adst128 = _project(x, W, as128, ad128, n_blk=400)
    ex, den = _edge_softmax_denom(asrc128, adst128, zeros128, src, dst, n, e)
    recip128 = _recip(den[0], den[1], n, n_blk=400)
    parts = _edge_aggregate(h, ex, recip128, zeros128, src, dst, n, e)
    out = _finalize(parts[0], parts[1], bias.reshape(1, C), n, n_blk=400)
    return out

# --- scband reference (transcript-rebuilt; emitter-appended) ---
"""Pipeline reference for scband-gat-88648124991286 (READ-ONLY COPY).

The authoritative reference and input builder live on the scoring server;
editing this copy changes nothing except your own understanding.
"""

import jax, jax.numpy as jnp
import numpy as np

N = 10000
E = 640000
IN = 116
H = 8
C = 64


def setup_inputs(seed: int = 0) -> dict:
    key = jax.random.key(seed)
    ks = jax.random.split(key, 6)
    x = jax.random.normal(ks[0], (N, IN), dtype=jnp.float32)
    edge_index = jax.random.randint(ks[1], (2, E), 0, N)
    # learned parameters of GATConv(116, 64, heads=8, concat=False)
    W = jax.random.normal(ks[2], (IN, H * C), dtype=jnp.float32) * 0.1
    att_src = jax.random.normal(ks[3], (H, C), dtype=jnp.float32) * 0.1
    att_dst = jax.random.normal(ks[4], (H, C), dtype=jnp.float32) * 0.1
    bias = jnp.zeros((C,), dtype=jnp.float32)
    return {"x": x, "edge_index": edge_index, "W": W, "att_src": att_src, "att_dst": att_dst, "bias": bias}


def reference(x, edge_index, W, att_src, att_dst, bias):
    n = x.shape[0]
    h = (x @ W).reshape(n, H, C)  # [N, H, C]
    a_src = jnp.sum(h * att_src[None, :, :], axis=-1)  # [N, H]
    a_dst = jnp.sum(h * att_dst[None, :, :], axis=-1)  # [N, H]
    src = edge_index[0]
    dst = edge_index[1]
    alpha = a_src[src] + a_dst[dst]  # [E, H]
    alpha = jax.nn.leaky_relu(alpha, negative_slope=0.2)
    # softmax over incoming edges per destination node (per head)
    amax = jax.ops.segment_max(alpha, dst, num_segments=n)  # [N, H]
    amax = jnp.where(jnp.isfinite(amax), amax, 0.0)
    amax = jax.lax.stop_gradient(amax)
    ex = jnp.exp(alpha - amax[dst])  # [E, H]
    denom = jax.ops.segment_sum(ex, dst, num_segments=n)  # [N, H]
    att = ex / (denom[dst] + 1e-16)  # [E, H]
    msg = h[src] * att[:, :, None]  # [E, H, C]
    out = jax.ops.segment_sum(msg, dst, num_segments=n)  # [N, H, C]
    out = out.mean(axis=1) + bias  # concat=False -> mean over heads
    return jax.nn.relu(out)

if __name__ == "__main__":
    import jax
    _d = setup_inputs()
    print(jax.jit(kernel)(*tuple(_d.values())))

</pallas_src>

<mosaic_0001>
#map = affine_map<(d0, d1) -> (0, 0)>
#map1 = affine_map<(d0, d1) -> (0)>
#map2 = affine_map<(d0, d1) -> (0, 0, 0)>
module attributes {stable_mosaic.version = 14 : i64} {
  func.func @body(%arg0: i32, %arg1: i32, %arg2: memref<10000x128xf32, #tpu.memory_space<hbm>>, %arg3: memref<10000x128xf32, #tpu.memory_space<hbm>>, %arg4: memref<10000x128xf32, #tpu.memory_space<hbm>>, %arg5: memref<640000xi32, #tpu.memory_space<hbm>>, %arg6: memref<640000xi32, #tpu.memory_space<hbm>>, %arg7: memref<640000x16xf32, #tpu.memory_space<hbm>>, %arg8: memref<2x10000x128xf32, #tpu.memory_space<hbm>>, %arg9: memref<80xi32, #tpu.memory_space<vmem>>, %arg10: memref<80xi32, #tpu.memory_space<vmem>>, %arg11: memref<80x128xf32, #tpu.memory_space<vmem>>, %arg12: memref<80x128xf32, #tpu.memory_space<vmem>>, %arg13: memref<80x16xf32, #tpu.memory_space<vmem>>, %arg14: memref<80x128xf32, #tpu.memory_space<vmem>>, %arg15: memref<10000x128xf32, #tpu.memory_space<vmem_shared>>, %arg16: memref<!tpu.dma_semaphore, #tpu.memory_space<semaphore_mem>>, %arg17: memref<!tpu.dma_semaphore, #tpu.memory_space<semaphore_mem>>) attributes {dimension_semantics = [#tpu.dimension_semantics<core_parallel>, #tpu.dimension_semantics<subcore_parallel>], iteration_bounds = array<i64: 2, 16>, scalar_prefetch = 0 : i64, scratch_operands = 9 : i64, tpu.core_type = #tpu.core_type<sc_vector_subcore>, window_params = [{transform_indices = #map}, {transform_indices = #map}, {transform_indices = #map}, {transform_indices = #map1}, {transform_indices = #map1}, {transform_indices = #map}, {transform_indices = #map2}]} {
    %mul3A = arith.constant 16 : i32
    %mul3A_0 = arith.muli %arg0, %mul3A : i32
    %add3A = arith.addi %mul3A_0, %arg1 : i32
    %lt3A = arith.constant 10 : i32
    %lt3A_1 = arith.cmpi slt, %arg1, %lt3A : i32
    %convert_element_type3A = arith.extui %lt3A_1 : i1 to i32
    %cond3A = arith.constant 0 : i32
    %cond3A_2 = arith.cmpi ne, %convert_element_type3A, %cond3A : i32
    scf.if %cond3A_2 {
      %mul3A_22 = arith.constant 1000 : i32
      %mul3A_23 = arith.muli %arg1, %mul3A_22 : i32
      %mul3A_24 = arith.constant 1000 : i32
      %mul3A_25 = arith.muli %arg1, %mul3A_24 : i32
      "tpu.region"() ({
        %run_scoped3A = tpu.sem_alloc : memref<!tpu.dma_semaphore, #tpu.memory_space<semaphore_mem>>
        %dma_start3A = arith.constant 0 : i32
        %dma_start3A_26 = tpu.memref_slice %arg15[%mul3A_25, %dma_start3A] : memref<10000x128xf32, #tpu.memory_space<vmem_shared>> -> memref<1000x128xf32, #tpu.memory_space<vmem_shared>>
        %dma_start3A_27 = arith.constant 0 : i32
        %dma_start3A_28 = tpu.memref_slice %arg4[%mul3A_23, %dma_start3A_27] : memref<10000x128xf32, #tpu.memory_space<hbm>> -> memref<1000x128xf32, #tpu.memory_space<hbm>>
        tpu.enqueue_dma source(%dma_start3A_28 : memref<1000x128xf32, #tpu.memory_space<hbm>>) target(%dma_start3A_26 : memref<1000x128xf32, #tpu.memory_space<vmem_shared>>) target_semaphore(%run_scoped3A : memref<!tpu.dma_semaphore, #tpu.memory_space<semaphore_mem>>)
        %dma_wait3A = arith.constant 0 : i32
        %dma_wait3A_29 = tpu.memref_slice %arg15[%mul3A_25, %dma_wait3A] : memref<10000x128xf32, #tpu.memory_space<vmem_shared>> -> memref<1000x128xf32, #tpu.memory_space<vmem_shared>>
        %dma_wait3A_30 = arith.constant 0 : i32
        %dma_wait3A_31 = tpu.memref_slice %arg4[%mul3A_23, %dma_wait3A_30] : memref<10000x128xf32, #tpu.memory_space<hbm>> -> memref<1000x128xf32, #tpu.memory_space<hbm>>
        tpu.wait_dma2 semaphore(%run_scoped3A : memref<!tpu.dma_semaphore, #tpu.memory_space<semaphore_mem>>) src(%dma_wait3A_31 : memref<1000x128xf32, #tpu.memory_space<hbm>>) dst(%dma_wait3A_29 : memref<1000x128xf32, #tpu.memory_space<vmem_shared>>)
        tpu.yield
      }) : () -> ()
    } else {
    }
    %scan3A = arith.constant 0 : i32
    %scan3A_3 = arith.constant 0 : i32
    %scan3A_4 = arith.constant 80 : i32
    %scan3A_5 = arith.addi %scan3A_3, %scan3A_4 : i32
    %scan3A_6 = arith.constant 1 : i32
    %scan3A_7 = scf.for %scan3A_22 = %scan3A_3 to %scan3A_5 step %scan3A_6 iter_args(%scan3A_23 = %scan3A) -> (i32)  : i32 {
      %broadcast_in_dim3A = arith.constant 0.000000e+00 : f32
      %broadcast_in_dim3A_24 = vector.broadcast %broadcast_in_dim3A : f32 to vector<16xf32>
      %swap3A = arith.index_cast %scan3A_22 : i32 to index
      %swap3A_25 = arith.constant 0 : index
      %swap3A_26 = tpu.vector_load %arg14[%swap3A, %swap3A_25] {strides = array<i32>} : memref<80x128xf32, #tpu.memory_space<vmem>>, vector<1x16xf32>,
      %swap3A_27 = vector.shape_cast %swap3A_26 : vector<1x16xf32> to vector<16xf32>
      %swap3A_28 = vector.shape_cast %broadcast_in_dim3A_24 : vector<16xf32> to vector<1x16xf32>
      tpu.vector_store %arg14[%swap3A, %swap3A_25], %swap3A_28 {strides = array<i32>} : memref<80x128xf32, #tpu.memory_space<vmem>>, vector<1x16xf32>,
      %broadcast_in_dim3A_29 = arith.constant 0.000000e+00 : f32
      %broadcast_in_dim3A_30 = vector.broadcast %broadcast_in_dim3A_29 : f32 to vector<16xf32>
      %swap3A_31 = arith.index_cast %scan3A_22 : i32 to index
      %swap3A_32 = arith.constant 16 : index
      %swap3A_33 = tpu.vector_load %arg14[%swap3A_31, %swap3A_32] {strides = array<i32>} : memref<80x128xf32, #tpu.memory_space<vmem>>, vector<1x16xf32>,
      %swap3A_34 = vector.shape_cast %swap3A_33 : vector<1x16xf32> to vector<16xf32>
      %swap3A_35 = vector.shape_cast %broadcast_in_dim3A_30 : vector<16xf32> to vector<1x16xf32>
      tpu.vector_store %arg14[%swap3A_31, %swap3A_32], %swap3A_35 {strides = array<i32>} : memref<80x128xf32, #tpu.memory_space<vmem>>, vector<1x16xf32>,
      %broadcast_in_dim3A_36 = arith.constant 0.000000e+00 : f32
      %broadcast_in_dim3A_37 = vector.broadcast %broadcast_in_dim3A_36 : f32 to vector<16xf32>
      %swap3A_38 = arith.index_cast %scan3A_22 : i32 to index
      %swap3A_39 = arith.constant 32 : index
      %swap3A_40 = tpu.vector_load %arg14[%swap3A_38, %swap3A_39] {strides = array<i32>} : memref<80x128xf32, #tpu.memory_space<vmem>>, vector<1x16xf32>,
      %swap3A_41 = vector.shape_cast %swap3A_40 : vector<1x16xf32> to vector<16xf32>
      %swap3A_42 = vector.shape_cast %broadcast_in_dim3A_37 : vector<16xf32> to vector<1x16xf32>
      tpu.vector_store %arg14[%swap3A_38, %swap3A_39], %swap3A_42 {strides = array<i32>} : memref<80x128xf32, #tpu.memory_space<vmem>>, vector<1x16xf32>,
      %broadcast_in_dim3A_43 = arith.constant 0.000000e+00 : f32
      %broadcast_in_dim3A_44 = vector.broadcast %broadcast_in_dim3A_43 : f32 to vector<16xf32>
      %swap3A_45 = arith.index_cast %scan3A_22 : i32 to index
      %swap3A_46 = arith.constant 48 : index
      %swap3A_47 = tpu.vector_load %arg14[%swap3A_45, %swap3A_46] {strides = array<i32>} : memref<80x128xf32, #tpu.memory_space<vmem>>, vector<1x16xf32>,
      %swap3A_48 = vector.shape_cast %swap3A_47 : vector<1x16xf32> to vector<16xf32>
      %swap3A_49 = vector.shape_cast %broadcast_in_dim3A_44 : vector<16xf32> to vector<1x16xf32>
      tpu.vector_store %arg14[%swap3A_45, %swap3A_46], %swap3A_49 {strides = array<i32>} : memref<80x128xf32, #tpu.memory_space<vmem>>, vector<1x16xf32>,
      %broadcast_in_dim3A_50 = arith.constant 0.000000e+00 : f32
      %broadcast_in_dim3A_51 = vector.broadcast %broadcast_in_dim3A_50 : f32 to vector<16xf32>
      %swap3A_52 = arith.index_cast %scan3A_22 : i32 to index
      %swap3A_53 = arith.constant 64 : index
      %swap3A_54 = tpu.vector_load %arg14[%swap3A_52, %swap3A_53] {strides = array<i32>} : memref<80x128xf32, #tpu.memory_space<vmem>>, vector<1x16xf32>,
      %swap3A_55 = vector.shape_cast %swap3A_54 : vector<1x16xf32> to vector<16xf32>
      %swap3A_56 = vector.shape_cast %broadcast_in_dim3A_51 : vector<16xf32> to vector<1x16xf32>
      tpu.vector_store %arg14[%swap3A_52, %swap3A_53], %swap3A_56 {strides = array<i32>} : memref<80x128xf32, #tpu.memory_space<vmem>>, vector<1x16xf32>,
      %broadcast_in_dim3A_57 = arith.constant 0.000000e+00 : f32
      %broadcast_in_dim3A_58 = vector.broadcast %broadcast_in_dim3A_57 : f32 to vector<16xf32>
      %swap3A_59 = arith.index_cast %scan3A_22 : i32 to index
      %swap3A_60 = arith.constant 80 : index
      %swap3A_61 = tpu.vector_load %arg14[%swap3A_59, %swap3A_60] {strides = array<i32>} : memref<80x128xf32, #tpu.memory_space<vmem>>, vector<1x16xf32>,
      %swap3A_62 = vector.shape_cast %swap3A_61 : vector<1x16xf32> to vector<16xf32>
      %swap3A_63 = vector.shape_cast %broadcast_in_dim3A_58 : vector<16xf32> to vector<1x16xf32>
      tpu.vector_store %arg14[%swap3A_59, %swap3A_60], %swap3A_63 {strides = array<i32>} : memref<80x128xf32, #tpu.memory_space<vmem>>, vector<1x16xf32>,
      %broadcast_in_dim3A_64 = arith.constant 0.000000e+00 : f32
      %broadcast_in_dim3A_65 = vector.broadcast %broadcast_in_dim3A_64 : f32 to vector<16xf32>
      %swap3A_66 = arith.index_cast %scan3A_22 : i32 to index
      %swap3A_67 = arith.constant 96 : index
      %swap3A_68 = tpu.vector_load %arg14[%swap3A_66, %swap3A_67] {strides = array<i32>} : memref<80x128xf32, #tpu.memory_space<vmem>>, vector<1x16xf32>,
      %swap3A_69 = vector.shape_cast %swap3A_68 : vector<1x16xf32> to vector<16xf32>
      %swap3A_70 = vector.shape_cast %broadcast_in_dim3A_65 : vector<16xf32> to vector<1x16xf32>
      tpu.vector_store %arg14[%swap3A_66, %swap3A_67], %swap3A_70 {strides = array<i32>} : memref<80x128xf32, #tpu.memory_space<vmem>>, vector<1x16xf32>,
      %broadcast_in_dim3A_71 = arith.constant 0.000000e+00 : f32
      %broadcast_in_dim3A_72 = vector.broadcast %broadcast_in_dim3A_71 : f32 to vector<16xf32>
      %swap3A_73 = arith.index_cast %scan3A_22 : i32 to index
      %swap3A_74 = arith.constant 112 : index
      %swap3A_75 = tpu.vector_load %arg14[%swap3A_73, %swap3A_74] {strides = array<i32>} : memref<80x128xf32, #tpu.memory_space<vmem>>, vector<1x16xf32>,
      %swap3A_76 = vector.shape_cast %swap3A_75 : vector<1x16xf32> to vector<16xf32>
      %swap3A_77 = vector.shape_cast %broadcast_in_dim3A_72 : vector<16xf32> to vector<1x16xf32>
      tpu.vector_store %arg14[%swap3A_73, %swap3A_74], %swap3A_77 {strides = array<i32>} : memref<80x128xf32, #tpu.memory_space<vmem>>, vector<1x16xf32>,
      %scan3A_78 = arith.constant 0 : i32
      scf.yield %scan3A_78 : i32
    }
    %scan3A_8 = arith.constant 80 : i32
    %barrier3A = arith.constant 0 : index
    tpu.barrier barrier_id(%barrier3A)
    %scan3A_9 = arith.constant 0 : i32
    %scan3A_10 = arith.constant 0 : i32
    %scan3A_11 = arith.constant 250 : i32
    %scan3A_12 = arith.addi %scan3A_10, %scan3A_11 : i32
    %scan3A_13 = arith.constant 1 : i32
    %scan3A_14 = scf.for %scan3A_22 = %scan3A_10 to %scan3A_12 step %scan3A_13 iter_args(%scan3A_23 = %scan3A_9) -> (i32)  : i32 {
      %mul3A_24 = arith.constant 20000 : i32
      %mul3A_25 = arith.muli %add3A, %mul3A_24 : i32
      %mul3A_26 = arith.constant 80 : i32
      %mul3A_27 = arith.muli %scan3A_22, %mul3A_26 : i32
      %add3A_28 = arith.addi %mul3A_25, %mul3A_27 : i32
      "tpu.region"() ({
        %run_scoped3A = tpu.sem_alloc : memref<!tpu.dma_semaphore, #tpu.memory_space<semaphore_mem>>
        %dma_start3A_47 = tpu.memref_slice %arg5[%add3A_28] : memref<640000xi32, #tpu.memory_space<hbm>> -> memref<80xi32, #tpu.memory_space<hbm>>
        %dma_start3A_48 = tpu.memref_slice %arg5[%add3A_28] : memref<640000xi32, #tpu.memory_space<hbm>> -> memref<80xi32, #tpu.memory_space<hbm>>
        tpu.enqueue_dma source(%dma_start3A_48 : memref<80xi32, #tpu.memory_space<hbm>>) target(%arg9 : memref<80xi32, #tpu.memory_space<vmem>>) target_semaphore(%run_scoped3A : memref<!tpu.dma_semaphore, #tpu.memory_space<semaphore_mem>>)
        %dma_wait3A_49 = tpu.memref_slice %arg5[%add3A_28] : memref<640000xi32, #tpu.memory_space<hbm>> -> memref<80xi32, #tpu.memory_space<hbm>>
        %dma_wait3A_50 = tpu.memref_slice %arg5[%add3A_28] : memref<640000xi32, #tpu.memory_space<hbm>> -> memref<80xi32, #tpu.memory_space<hbm>>
        tpu.wait_dma2 semaphore(%run_scoped3A : memref<!tpu.dma_semaphore, #tpu.memory_space<semaphore_mem>>) src(%dma_wait3A_50 : memref<80xi32, #tpu.memory_space<hbm>>) dst(%arg9 : memref<80xi32, #tpu.memory_space<vmem>>)
        tpu.yield
      }) : () -> ()
      "tpu.region"() ({
        %run_scoped3A = tpu.sem_alloc : memref<!tpu.dma_semaphore, #tpu.memory_space<semaphore_mem>>
        %dma_start3A_47 = tpu.memref_slice %arg6[%add3A_28] : memref<640000xi32, #tpu.memory_space<hbm>> -> memref<80xi32, #tpu.memory_space<hbm>>
        %dma_start3A_48 = tpu.memref_slice %arg6[%add3A_28] : memref<640000xi32, #tpu.memory_space<hbm>> -> memref<80xi32, #tpu.memory_space<hbm>>
        tpu.enqueue_dma source(%dma_start3A_48 : memref<80xi32, #tpu.memory_space<hbm>>) target(%arg10 : memref<80xi32, #tpu.memory_space<vmem>>) target_semaphore(%run_scoped3A : memref<!tpu.dma_semaphore, #tpu.memory_space<semaphore_mem>>)
        %dma_wait3A_49 = tpu.memref_slice %arg6[%add3A_28] : memref<640000xi32, #tpu.memory_space<hbm>> -> memref<80xi32, #tpu.memory_space<hbm>>
        %dma_wait3A_50 = tpu.memref_slice %arg6[%add3A_28] : memref<640000xi32, #tpu.memory_space<hbm>> -> memref<80xi32, #tpu.memory_space<hbm>>
        tpu.wait_dma2 semaphore(%run_scoped3A : memref<!tpu.dma_semaphore, #tpu.memory_space<semaphore_mem>>) src(%dma_wait3A_50 : memref<80xi32, #tpu.memory_space<hbm>>) dst(%arg10 : memref<80xi32, #tpu.memory_space<vmem>>)
        tpu.yield
      }) : () -> ()
      %dma_start3A = arith.constant 0 : i32
      %dma_start3A_29 = arith.constant 0 : i32
      %dma_start3A_30 = tpu.memref_slice %arg2[%dma_start3A, %dma_start3A_29] : memref<10000x128xf32, #tpu.memory_space<hbm>> -> memref<10000x128xf32, #tpu.memory_space<hbm>>
      tpu.enqueue_indirect_dma source(%dma_start3A_30 : memref<10000x128xf32, #tpu.memory_space<hbm>>) target(%arg11 : memref<80x128xf32, #tpu.memory_space<vmem>>) offsets(%arg9 : memref<80xi32, #tpu.memory_space<vmem>>) semaphore(%arg16 : memref<!tpu.dma_semaphore, #tpu.memory_space<semaphore_mem>>)
      %dma_start3A_31 = arith.constant 0 : i32
      %dma_start3A_32 = arith.constant 0 : i32
      %dma_start3A_33 = tpu.memref_slice %arg3[%dma_start3A_31, %dma_start3A_32] : memref<10000x128xf32, #tpu.memory_space<hbm>> -> memref<10000x128xf32, #tpu.memory_space<hbm>>
      tpu.enqueue_indirect_dma source(%dma_start3A_33 : memref<10000x128xf32, #tpu.memory_space<hbm>>) target(%arg12 : memref<80x128xf32, #tpu.memory_space<vmem>>) offsets(%arg10 : memref<80xi32, #tpu.memory_space<vmem>>) semaphore(%arg17 : memref<!tpu.dma_semaphore, #tpu.memory_space<semaphore_mem>>)
      %dma_wait3A = arith.constant 0 : i32
      %dma_wait3A_34 = arith.constant 0 : i32
      %dma_wait3A_35 = tpu.memref_slice %arg2[%dma_wait3A, %dma_wait3A_34] : memref<10000x128xf32, #tpu.memory_space<hbm>> -> memref<10000x128xf32, #tpu.memory_space<hbm>>
      tpu.wait_indirect_dma semaphore(%arg16 : memref<!tpu.dma_semaphore, #tpu.memory_space<semaphore_mem>>) src(%dma_wait3A_35 : memref<10000x128xf32, #tpu.memory_space<hbm>>) dst(%arg11 : memref<80x128xf32, #tpu.memory_space<vmem>>)
      %dma_wait3A_36 = arith.constant 0 : i32
      %dma_wait3A_37 = arith.constant 0 : i32
      %dma_wait3A_38 = tpu.memref_slice %arg3[%dma_wait3A_36, %dma_wait3A_37] : memref<10000x128xf32, #tpu.memory_space<hbm>> -> memref<10000x128xf32, #tpu.memory_space<hbm>>
      tpu.wait_indirect_dma semaphore(%arg17 : memref<!tpu.dma_semaphore, #tpu.memory_space<semaphore_mem>>) src(%dma_wait3A_38 : memref<10000x128xf32, #tpu.memory_space<hbm>>) dst(%arg12 : memref<80x128xf32, #tpu.memory_space<vmem>>)
      %scan3A_39 = arith.constant 0 : i32
      %scan3A_40 = arith.constant 0 : i32
      %scan3A_41 = arith.constant 80 : i32
      %scan3A_42 = arith.addi %scan3A_40, %scan3A_41 : i32
      %scan3A_43 = arith.constant 1 : i32
      %scan3A_44 = scf.for %scan3A_47 = %scan3A_40 to %scan3A_42 step %scan3A_43 iter_args(%scan3A_48 = %scan3A_39) -> (i32)  : i32 {
        %get3A = arith.index_cast %scan3A_47 : i32 to index
        %get3A_49 = arith.constant 0 : index
        %get3A_50 = tpu.vector_load %arg11[%get3A, %get3A_49] {strides = array<i32>} : memref<80x128xf32, #tpu.memory_space<vmem>>, vector<1x16xf32>,
        %get3A_51 = vector.shape_cast %get3A_50 : vector<1x16xf32> to vector<16xf32>
        %get3A_52 = arith.index_cast %scan3A_47 : i32 to index
        %get3A_53 = arith.constant 0 : index
        %get3A_54 = tpu.vector_load %arg12[%get3A_52, %get3A_53] {strides = array<i32>} : memref<80x128xf32, #tpu.memory_space<vmem>>, vector<1x16xf32>,
        %get3A_55 = vector.shape_cast %get3A_54 : vector<1x16xf32> to vector<16xf32>
        %add3A_56 = arith.addf %get3A_51, %get3A_55 : vector<16xf32>
        %mul3A_57 = arith.constant 2.000000e-01 : f32
        %mul3A_58 = vector.broadcast %mul3A_57 : f32 to vector<16xf32>
        %mul3A_59 = arith.mulf %mul3A_58, %add3A_56 : vector<16xf32>
        %max3A = arith.maximumf %add3A_56, %mul3A_59 : vector<16xf32>
        %exp3A = math.exp %max3A : vector<16xf32>
        %swap3A = arith.index_cast %scan3A_47 : i32 to index
        %swap3A_60 = arith.constant 0 : index
        %swap3A_61 = tpu.vector_load %arg13[%swap3A, %swap3A_60] {strides = array<i32>} : memref<80x16xf32, #tpu.memory_space<vmem>>, vector<1x16xf32>,
        %swap3A_62 = vector.shape_cast %swap3A_61 : vector<1x16xf32> to vector<16xf32>
        %swap3A_63 = vector.shape_cast %exp3A : vector<16xf32> to vector<1x16xf32>
        tpu.vector_store %arg13[%swap3A, %swap3A_60], %swap3A_63 {strides = array<i32>} : memref<80x16xf32, #tpu.memory_space<vmem>>, vector<1x16xf32>,
        %swap3A_64 = arith.index_cast %scan3A_47 : i32 to index
        %swap3A_65 = arith.constant 0 : index
        %swap3A_66 = tpu.vector_load %arg14[%swap3A_64, %swap3A_65] {strides = array<i32>} : memref<80x128xf32, #tpu.memory_space<vmem>>, vector<1x16xf32>,
        %swap3A_67 = vector.shape_cast %swap3A_66 : vector<1x16xf32> to vector<16xf32>
        %swap3A_68 = vector.shape_cast %exp3A : vector<16xf32> to vector<1x16xf32>
        tpu.vector_store %arg14[%swap3A_64, %swap3A_65], %swap3A_68 {strides = array<i32>} : memref<80x128xf32, #tpu.memory_space<vmem>>, vector<1x16xf32>,
        %scan3A_69 = arith.constant 0 : i32
        scf.yield %scan3A_69 : i32
      }
      %scan3A_45 = arith.constant 80 : i32
      "tpu.region"() ({
        %run_scoped3A = tpu.sem_alloc : memref<!tpu.dma_semaphore, #tpu.memory_space<semaphore_mem>>
        %dma_start3A_47 = arith.constant 0 : i32
        %dma_start3A_48 = tpu.memref_slice %arg7[%add3A_28, %dma_start3A_47] : memref<640000x16xf32, #tpu.memory_space<hbm>> -> memref<80x16xf32, #tpu.memory_space<hbm>>
        %dma_start3A_49 = arith.constant 0 : i32
        %dma_start3A_50 = tpu.memref_slice %arg7[%add3A_28, %dma_start3A_49] : memref<640000x16xf32, #tpu.memory_space<hbm>> -> memref<80x16xf32, #tpu.memory_space<hbm>>
        tpu.enqueue_dma source(%arg13 : memref<80x16xf32, #tpu.memory_space<vmem>>) target(%dma_start3A_50 : memref<80x16xf32, #tpu.memory_space<hbm>>) target_semaphore(%run_scoped3A : memref<!tpu.dma_semaphore, #tpu.memory_space<semaphore_mem>>)
        %dma_wait3A_51 = arith.constant 0 : i32
        %dma_wait3A_52 = tpu.memref_slice %arg7[%add3A_28, %dma_wait3A_51] : memref<640000x16xf32, #tpu.memory_space<hbm>> -> memref<80x16xf32, #tpu.memory_space<hbm>>
        %dma_wait3A_53 = arith.constant 0 : i32
        %dma_wait3A_54 = tpu.memref_slice %arg7[%add3A_28, %dma_wait3A_53] : memref<640000x16xf32, #tpu.memory_space<hbm>> -> memref<80x16xf32, #tpu.memory_space<hbm>>
        tpu.wait_dma2 semaphore(%run_scoped3A : memref<!tpu.dma_semaphore, #tpu.memory_space<semaphore_mem>>) src(%arg13 : memref<80x16xf32, #tpu.memory_space<vmem>>) dst(%dma_wait3A_54 : memref<80x16xf32, #tpu.memory_space<hbm>>)
        tpu.yield
      }) : () -> ()
      "tpu.region"() ({
        %run_scoped3A = tpu.sem_alloc : memref<!tpu.dma_semaphore, #tpu.memory_space<semaphore_mem>>
        %dma_start3A_47 = arith.constant 0 : i32
        %dma_start3A_48 = arith.constant 0 : i32
        %dma_start3A_49 = tpu.memref_slice %arg15[%dma_start3A_47, %dma_start3A_48] : memref<10000x128xf32, #tpu.memory_space<vmem_shared>> -> memref<10000x128xf32, #tpu.memory_space<vmem_shared>>
        tpu.enqueue_indirect_dma source(%arg14 : memref<80x128xf32, #tpu.memory_space<vmem>>) target(%dma_start3A_49 : memref<10000x128xf32, #tpu.memory_space<vmem_shared>>) offsets(%arg10 : memref<80xi32, #tpu.memory_space<vmem>>) semaphore(%run_scoped3A : memref<!tpu.dma_semaphore, #tpu.memory_space<semaphore_mem>>) {add = true}
        %dma_wait3A_50 = arith.constant 0 : i32
        %dma_wait3A_51 = arith.constant 0 : i32
        %dma_wait3A_52 = tpu.memref_slice %arg15[%dma_wait3A_50, %dma_wait3A_51] : memref<10000x128xf32, #tpu.memory_space<vmem_shared>> -> memref<10000x128xf32, #tpu.memory_space<vmem_shared>>
        tpu.wait_indirect_dma semaphore(%run_scoped3A : memref<!tpu.dma_semaphore, #tpu.memory_space<semaphore_mem>>) src(%arg14 : memref<80x128xf32, #tpu.memory_space<vmem>>) dst(%dma_wait3A_52 : memref<10000x128xf32, #tpu.memory_space<vmem_shared>>)
        tpu.yield
      }) : () -> ()
      %scan3A_46 = arith.constant 0 : i32
      scf.yield %scan3A_46 : i32
    }
    %scan3A_15 = arith.constant 250 : i32
    %barrier3A_16 = arith.constant 0 : index
    tpu.barrier barrier_id(%barrier3A_16)
    %lt3A_17 = arith.constant 10 : i32
    %lt3A_18 = arith.cmpi slt, %arg1, %lt3A_17 : i32
    %convert_element_type3A_19 = arith.extui %lt3A_18 : i1 to i32
    %cond3A_20 = arith.constant 0 : i32
    %cond3A_21 = arith.cmpi ne, %convert_element_type3A_19, %cond3A_20 : i32
    scf.if %cond3A_21 {
      %mul3A_22 = arith.constant 1000 : i32
      %mul3A_23 = arith.muli %arg1, %mul3A_22 : i32
      %mul3A_24 = arith.constant 1000 : i32
      %mul3A_25 = arith.muli %arg1, %mul3A_24 : i32
      "tpu.region"() ({
        %run_scoped3A = tpu.sem_alloc : memref<!tpu.dma_semaphore, #tpu.memory_space<semaphore_mem>>
        %dma_start3A = arith.constant 0 : i32
        %dma_start3A_26 = tpu.memref_slice %arg8[%arg0, %mul3A_25, %dma_start3A] : memref<2x10000x128xf32, #tpu.memory_space<hbm>> -> memref<1x1000x128xf32, #tpu.memory_space<hbm>>
        %dma_start3A_27 = tpu.memref_squeeze %dma_start3A_26 : memref<1x1000x128xf32, #tpu.memory_space<hbm>> -> memref<1000x128xf32, #tpu.memory_space<hbm>>
        %dma_start3A_28 = arith.constant 0 : i32
        %dma_start3A_29 = tpu.memref_slice %arg15[%mul3A_23, %dma_start3A_28] : memref<10000x128xf32, #tpu.memory_space<vmem_shared>> -> memref<1000x128xf32, #tpu.memory_space<vmem_shared>>
        tpu.enqueue_dma source(%dma_start3A_29 : memref<1000x128xf32, #tpu.memory_space<vmem_shared>>) target(%dma_start3A_27 : memref<1000x128xf32, #tpu.memory_space<hbm>>) target_semaphore(%run_scoped3A : memref<!tpu.dma_semaphore, #tpu.memory_space<semaphore_mem>>)
        %dma_wait3A = arith.constant 0 : i32
        %dma_wait3A_30 = tpu.memref_slice %arg8[%arg0, %mul3A_25, %dma_wait3A] : memref<2x10000x128xf32, #tpu.memory_space<hbm>> -> memref<1x1000x128xf32, #tpu.memory_space<hbm>>
        %dma_wait3A_31 = tpu.memref_squeeze %dma_wait3A_30 : memref<1x1000x128xf32, #tpu.memory_space<hbm>> -> memref<1000x128xf32, #tpu.memory_space<hbm>>
        %dma_wait3A_32 = arith.constant 0 : i32
        %dma_wait3A_33 = tpu.memref_slice %arg15[%mul3A_23, %dma_wait3A_32] : memref<10000x128xf32, #tpu.memory_space<vmem_shared>> -> memref<1000x128xf32, #tpu.memory_space<vmem_shared>>
        tpu.wait_dma2 semaphore(%run_scoped3A : memref<!tpu.dma_semaphore, #tpu.memory_space<semaphore_mem>>) src(%dma_wait3A_33 : memref<1000x128xf32, #tpu.memory_space<vmem_shared>>) dst(%dma_wait3A_31 : memref<1000x128xf32, #tpu.memory_space<hbm>>)
        tpu.yield
      }) : () -> ()
    } else {
    }
    return
  }
}

#map = affine_map<(d0, d1) -> (0, 0)>
#map1 = affine_map<(d0, d1) -> (0)>
#map2 = affine_map<(d0, d1) -> (0, 0, 0)>
module attributes {stable_mosaic.version = 14 : i64} {
  func.func @body(%arg0: i32, %arg1: i32, %arg2: memref<10000x512xf32, #tpu.memory_space<hbm>>, %arg3: memref<640000x16xf32, #tpu.memory_space<hbm>>, %arg4: memref<10000x128xf32, #tpu.memory_space<hbm>>, %arg5: memref<10000x128xf32, #tpu.memory_space<hbm>>, %arg6: memref<640000xi32, #tpu.memory_space<hbm>>, %arg7: memref<640000xi32, #tpu.memory_space<hbm>>, %arg8: memref<2x10000x128xf32, #tpu.memory_space<hbm>>, %arg9: memref<40xi32, #tpu.memory_space<vmem>>, %arg10: memref<40xi32, #tpu.memory_space<vmem>>, %arg11: memref<40x512xf32, #tpu.memory_space<vmem>>, %arg12: memref<40x16xf32, #tpu.memory_space<vmem>>, %arg13: memref<40x128xf32, #tpu.memory_space<vmem>>, %arg14: memref<40x128xf32, #tpu.memory_space<vmem>>, %arg15: memref<10000x128xf32, #tpu.memory_space<vmem_shared>>, %arg16: memref<!tpu.dma_semaphore, #tpu.memory_space<semaphore_mem>>, %arg17: memref<!tpu.dma_semaphore, #tpu.memory_space<semaphore_mem>>) attributes {dimension_semantics = [#tpu.dimension_semantics<core_parallel>, #tpu.dimension_semantics<subcore_parallel>], iteration_bounds = array<i64: 2, 16>, scalar_prefetch = 0 : i64, scratch_operands = 9 : i64, tpu.core_type = #tpu.core_type<sc_vector_subcore>, window_params = [{transform_indices = #map}, {transform_indices = #map}, {transform_indices = #map}, {transform_indices = #map}, {transform_indices = #map1}, {transform_indices = #map1}, {transform_indices = #map2}]} {
    %mul3A = arith.constant 16 : i32
    %mul3A_0 = arith.muli %arg0, %mul3A : i32
    %add3A = arith.addi %mul3A_0, %arg1 : i32
    %lt3A = arith.constant 10 : i32
    %lt3A_1 = arith.cmpi slt, %arg1, %lt3A : i32
    %convert_element_type3A = arith.extui %lt3A_1 : i1 to i32
    %cond3A = arith.constant 0 : i32
    %cond3A_2 = arith.cmpi ne, %convert_element_type3A, %cond3A : i32
    scf.if %cond3A_2 {
      %mul3A_22 = arith.constant 1000 : i32
      %mul3A_23 = arith.muli %arg1, %mul3A_22 : i32
      %mul3A_24 = arith.constant 1000 : i32
      %mul3A_25 = arith.muli %arg1, %mul3A_24 : i32
      "tpu.region"() ({
        %run_scoped3A = tpu.sem_alloc : memref<!tpu.dma_semaphore, #tpu.memory_space<semaphore_mem>>
        %dma_start3A = arith.constant 0 : i32
        %dma_start3A_26 = tpu.memref_slice %arg15[%mul3A_25, %dma_start3A] : memref<10000x128xf32, #tpu.memory_space<vmem_shared>> -> memref<1000x128xf32, #tpu.memory_space<vmem_shared>>
        %dma_start3A_27 = arith.constant 0 : i32
        %dma_start3A_28 = tpu.memref_slice %arg5[%mul3A_23, %dma_start3A_27] : memref<10000x128xf32, #tpu.memory_space<hbm>> -> memref<1000x128xf32, #tpu.memory_space<hbm>>
        tpu.enqueue_dma source(%dma_start3A_28 : memref<1000x128xf32, #tpu.memory_space<hbm>>) target(%dma_start3A_26 : memref<1000x128xf32, #tpu.memory_space<vmem_shared>>) target_semaphore(%run_scoped3A : memref<!tpu.dma_semaphore, #tpu.memory_space<semaphore_mem>>)
        %dma_wait3A = arith.constant 0 : i32
        %dma_wait3A_29 = tpu.memref_slice %arg15[%mul3A_25, %dma_wait3A] : memref<10000x128xf32, #tpu.memory_space<vmem_shared>> -> memref<1000x128xf32, #tpu.memory_space<vmem_shared>>
        %dma_wait3A_30 = arith.constant 0 : i32
        %dma_wait3A_31 = tpu.memref_slice %arg5[%mul3A_23, %dma_wait3A_30] : memref<10000x128xf32, #tpu.memory_space<hbm>> -> memref<1000x128xf32, #tpu.memory_space<hbm>>
        tpu.wait_dma2 semaphore(%run_scoped3A : memref<!tpu.dma_semaphore, #tpu.memory_space<semaphore_mem>>) src(%dma_wait3A_31 : memref<1000x128xf32, #tpu.memory_space<hbm>>) dst(%dma_wait3A_29 : memref<1000x128xf32, #tpu.memory_space<vmem_shared>>)
        tpu.yield
      }) : () -> ()
    } else {
    }
    %scan3A = arith.constant 0 : i32
    %scan3A_3 = arith.constant 0 : i32
    %scan3A_4 = arith.constant 40 : i32
    %scan3A_5 = arith.addi %scan3A_3, %scan3A_4 : i32
    %scan3A_6 = arith.constant 1 : i32
    %scan3A_7 = scf.for %scan3A_22 = %scan3A_3 to %scan3A_5 step %scan3A_6 iter_args(%scan3A_23 = %scan3A) -> (i32)  : i32 {
      %broadcast_in_dim3A = arith.constant 0.000000e+00 : f32
      %broadcast_in_dim3A_24 = vector.broadcast %broadcast_in_dim3A : f32 to vector<16xf32>
      %swap3A = arith.index_cast %scan3A_22 : i32 to index
      %swap3A_25 = arith.constant 0 : index
      %swap3A_26 = tpu.vector_load %arg14[%swap3A, %swap3A_25] {strides = array<i32>} : memref<40x128xf32, #tpu.memory_space<vmem>>, vector<1x16xf32>,
      %swap3A_27 = vector.shape_cast %swap3A_26 : vector<1x16xf32> to vector<16xf32>
      %swap3A_28 = vector.shape_cast %broadcast_in_dim3A_24 : vector<16xf32> to vector<1x16xf32>
      tpu.vector_store %arg14[%swap3A, %swap3A_25], %swap3A_28 {strides = array<i32>} : memref<40x128xf32, #tpu.memory_space<vmem>>, vector<1x16xf32>,
      %broadcast_in_dim3A_29 = arith.constant 0.000000e+00 : f32
      %broadcast_in_dim3A_30 = vector.broadcast %broadcast_in_dim3A_29 : f32 to vector<16xf32>
      %swap3A_31 = arith.index_cast %scan3A_22 : i32 to index
      %swap3A_32 = arith.constant 16 : index
      %swap3A_33 = tpu.vector_load %arg14[%swap3A_31, %swap3A_32] {strides = array<i32>} : memref<40x128xf32, #tpu.memory_space<vmem>>, vector<1x16xf32>,
      %swap3A_34 = vector.shape_cast %swap3A_33 : vector<1x16xf32> to vector<16xf32>
      %swap3A_35 = vector.shape_cast %broadcast_in_dim3A_30 : vector<16xf32> to vector<1x16xf32>
      tpu.vector_store %arg14[%swap3A_31, %swap3A_32], %swap3A_35 {strides = array<i32>} : memref<40x128xf32, #tpu.memory_space<vmem>>, vector<1x16xf32>,
      %broadcast_in_dim3A_36 = arith.constant 0.000000e+00 : f32
      %broadcast_in_dim3A_37 = vector.broadcast %broadcast_in_dim3A_36 : f32 to vector<16xf32>
      %swap3A_38 = arith.index_cast %scan3A_22 : i32 to index
      %swap3A_39 = arith.constant 32 : index
      %swap3A_40 = tpu.vector_load %arg14[%swap3A_38, %swap3A_39] {strides = array<i32>} : memref<40x128xf32, #tpu.memory_space<vmem>>, vector<1x16xf32>,
      %swap3A_41 = vector.shape_cast %swap3A_40 : vector<1x16xf32> to vector<16xf32>
      %swap3A_42 = vector.shape_cast %broadcast_in_dim3A_37 : vector<16xf32> to vector<1x16xf32>
      tpu.vector_store %arg14[%swap3A_38, %swap3A_39], %swap3A_42 {strides = array<i32>} : memref<40x128xf32, #tpu.memory_space<vmem>>, vector<1x16xf32>,
      %broadcast_in_dim3A_43 = arith.constant 0.000000e+00 : f32
      %broadcast_in_dim3A_44 = vector.broadcast %broadcast_in_dim3A_43 : f32 to vector<16xf32>
      %swap3A_45 = arith.index_cast %scan3A_22 : i32 to index
      %swap3A_46 = arith.constant 48 : index
      %swap3A_47 = tpu.vector_load %arg14[%swap3A_45, %swap3A_46] {strides = array<i32>} : memref<40x128xf32, #tpu.memory_space<vmem>>, vector<1x16xf32>,
      %swap3A_48 = vector.shape_cast %swap3A_47 : vector<1x16xf32> to vector<16xf32>
      %swap3A_49 = vector.shape_cast %broadcast_in_dim3A_44 : vector<16xf32> to vector<1x16xf32>
      tpu.vector_store %arg14[%swap3A_45, %swap3A_46], %swap3A_49 {strides = array<i32>} : memref<40x128xf32, #tpu.memory_space<vmem>>, vector<1x16xf32>,
      %broadcast_in_dim3A_50 = arith.constant 0.000000e+00 : f32
      %broadcast_in_dim3A_51 = vector.broadcast %broadcast_in_dim3A_50 : f32 to vector<16xf32>
      %swap3A_52 = arith.index_cast %scan3A_22 : i32 to index
      %swap3A_53 = arith.constant 64 : index
      %swap3A_54 = tpu.vector_load %arg14[%swap3A_52, %swap3A_53] {strides = array<i32>} : memref<40x128xf32, #tpu.memory_space<vmem>>, vector<1x16xf32>,
      %swap3A_55 = vector.shape_cast %swap3A_54 : vector<1x16xf32> to vector<16xf32>
      %swap3A_56 = vector.shape_cast %broadcast_in_dim3A_51 : vector<16xf32> to vector<1x16xf32>
      tpu.vector_store %arg14[%swap3A_52, %swap3A_53], %swap3A_56 {strides = array<i32>} : memref<40x128xf32, #tpu.memory_space<vmem>>, vector<1x16xf32>,
      %broadcast_in_dim3A_57 = arith.constant 0.000000e+00 : f32
      %broadcast_in_dim3A_58 = vector.broadcast %broadcast_in_dim3A_57 : f32 to vector<16xf32>
      %swap3A_59 = arith.index_cast %scan3A_22 : i32 to index
      %swap3A_60 = arith.constant 80 : index
      %swap3A_61 = tpu.vector_load %arg14[%swap3A_59, %swap3A_60] {strides = array<i32>} : memref<40x128xf32, #tpu.memory_space<vmem>>, vector<1x16xf32>,
      %swap3A_62 = vector.shape_cast %swap3A_61 : vector<1x16xf32> to vector<16xf32>
      %swap3A_63 = vector.shape_cast %broadcast_in_dim3A_58 : vector<16xf32> to vector<1x16xf32>
      tpu.vector_store %arg14[%swap3A_59, %swap3A_60], %swap3A_63 {strides = array<i32>} : memref<40x128xf32, #tpu.memory_space<vmem>>, vector<1x16xf32>,
      %broadcast_in_dim3A_64 = arith.constant 0.000000e+00 : f32
      %broadcast_in_dim3A_65 = vector.broadcast %broadcast_in_dim3A_64 : f32 to vector<16xf32>
      %swap3A_66 = arith.index_cast %scan3A_22 : i32 to index
      %swap3A_67 = arith.constant 96 : index
      %swap3A_68 = tpu.vector_load %arg14[%swap3A_66, %swap3A_67] {strides = array<i32>} : memref<40x128xf32, #tpu.memory_space<vmem>>, vector<1x16xf32>,
      %swap3A_69 = vector.shape_cast %swap3A_68 : vector<1x16xf32> to vector<16xf32>
      %swap3A_70 = vector.shape_cast %broadcast_in_dim3A_65 : vector<16xf32> to vector<1x16xf32>
      tpu.vector_store %arg14[%swap3A_66, %swap3A_67], %swap3A_70 {strides = array<i32>} : memref<40x128xf32, #tpu.memory_space<vmem>>, vector<1x16xf32>,
      %broadcast_in_dim3A_71 = arith.constant 0.000000e+00 : f32
      %broadcast_in_dim3A_72 = vector.broadcast %broadcast_in_dim3A_71 : f32 to vector<16xf32>
      %swap3A_73 = arith.index_cast %scan3A_22 : i32 to index
      %swap3A_74 = arith.constant 112 : index
      %swap3A_75 = tpu.vector_load %arg14[%swap3A_73, %swap3A_74] {strides = array<i32>} : memref<40x128xf32, #tpu.memory_space<vmem>>, vector<1x16xf32>,
      %swap3A_76 = vector.shape_cast %swap3A_75 : vector<1x16xf32> to vector<16xf32>
      %swap3A_77 = vector.shape_cast %broadcast_in_dim3A_72 : vector<16xf32> to vector<1x16xf32>
      tpu.vector_store %arg14[%swap3A_73, %swap3A_74], %swap3A_77 {strides = array<i32>} : memref<40x128xf32, #tpu.memory_space<vmem>>, vector<1x16xf32>,
      %scan3A_78 = arith.constant 0 : i32
      scf.yield %scan3A_78 : i32
    }
    %scan3A_8 = arith.constant 40 : i32
    %barrier3A = arith.constant 0 : index
    tpu.barrier barrier_id(%barrier3A)
    %scan3A_9 = arith.constant 0 : i32
    %scan3A_10 = arith.constant 0 : i32
    %scan3A_11 = arith.constant 500 : i32
    %scan3A_12 = arith.addi %scan3A_10, %scan3A_11 : i32
    %scan3A_13 = arith.constant 1 : i32
    %scan3A_14 = scf.for %scan3A_22 = %scan3A_10 to %scan3A_12 step %scan3A_13 iter_args(%scan3A_23 = %scan3A_9) -> (i32)  : i32 {
      %mul3A_24 = arith.constant 20000 : i32
      %mul3A_25 = arith.muli %add3A, %mul3A_24 : i32
      %mul3A_26 = arith.constant 40 : i32
      %mul3A_27 = arith.muli %scan3A_22, %mul3A_26 : i32
      %add3A_28 = arith.addi %mul3A_25, %mul3A_27 : i32
      "tpu.region"() ({
        %run_scoped3A = tpu.sem_alloc : memref<!tpu.dma_semaphore, #tpu.memory_space<semaphore_mem>>
        %dma_start3A_47 = tpu.memref_slice %arg6[%add3A_28] : memref<640000xi32, #tpu.memory_space<hbm>> -> memref<40xi32, #tpu.memory_space<hbm>>
        %dma_start3A_48 = tpu.memref_slice %arg6[%add3A_28] : memref<640000xi32, #tpu.memory_space<hbm>> -> memref<40xi32, #tpu.memory_space<hbm>>
        tpu.enqueue_dma source(%dma_start3A_48 : memref<40xi32, #tpu.memory_space<hbm>>) target(%arg9 : memref<40xi32, #tpu.memory_space<vmem>>) target_semaphore(%run_scoped3A : memref<!tpu.dma_semaphore, #tpu.memory_space<semaphore_mem>>)
        %dma_wait3A_49 = tpu.memref_slice %arg6[%add3A_28] : memref<640000xi32, #tpu.memory_space<hbm>> -> memref<40xi32, #tpu.memory_space<hbm>>
        %dma_wait3A_50 = tpu.memref_slice %arg6[%add3A_28] : memref<640000xi32, #tpu.memory_space<hbm>> -> memref<40xi32, #tpu.memory_space<hbm>>
        tpu.wait_dma2 semaphore(%run_scoped3A : memref<!tpu.dma_semaphore, #tpu.memory_space<semaphore_mem>>) src(%dma_wait3A_50 : memref<40xi32, #tpu.memory_space<hbm>>) dst(%arg9 : memref<40xi32, #tpu.memory_space<vmem>>)
        tpu.yield
      }) : () -> ()
      "tpu.region"() ({
        %run_scoped3A = tpu.sem_alloc : memref<!tpu.dma_semaphore, #tpu.memory_space<semaphore_mem>>
        %dma_start3A_47 = tpu.memref_slice %arg7[%add3A_28] : memref<640000xi32, #tpu.memory_space<hbm>> -> memref<40xi32, #tpu.memory_space<hbm>>
        %dma_start3A_48 = tpu.memref_slice %arg7[%add3A_28] : memref<640000xi32, #tpu.memory_space<hbm>> -> memref<40xi32, #tpu.memory_space<hbm>>
        tpu.enqueue_dma source(%dma_start3A_48 : memref<40xi32, #tpu.memory_space<hbm>>) target(%arg10 : memref<40xi32, #tpu.memory_space<vmem>>) target_semaphore(%run_scoped3A : memref<!tpu.dma_semaphore, #tpu.memory_space<semaphore_mem>>)
        %dma_wait3A_49 = tpu.memref_slice %arg7[%add3A_28] : memref<640000xi32, #tpu.memory_space<hbm>> -> memref<40xi32, #tpu.memory_space<hbm>>
        %dma_wait3A_50 = tpu.memref_slice %arg7[%add3A_28] : memref<640000xi32, #tpu.memory_space<hbm>> -> memref<40xi32, #tpu.memory_space<hbm>>
        tpu.wait_dma2 semaphore(%run_scoped3A : memref<!tpu.dma_semaphore, #tpu.memory_space<semaphore_mem>>) src(%dma_wait3A_50 : memref<40xi32, #tpu.memory_space<hbm>>) dst(%arg10 : memref<40xi32, #tpu.memory_space<vmem>>)
        tpu.yield
      }) : () -> ()
      %dma_start3A = arith.constant 0 : i32
      %dma_start3A_29 = arith.constant 0 : i32
      %dma_start3A_30 = tpu.memref_slice %arg2[%dma_start3A, %dma_start3A_29] : memref<10000x512xf32, #tpu.memory_space<hbm>> -> memref<10000x512xf32, #tpu.memory_space<hbm>>
      tpu.enqueue_indirect_dma source(%dma_start3A_30 : memref<10000x512xf32, #tpu.memory_space<hbm>>) target(%arg11 : memref<40x512xf32, #tpu.memory_space<vmem>>) offsets(%arg9 : memref<40xi32, #tpu.memory_space<vmem>>) semaphore(%arg16 : memref<!tpu.dma_semaphore, #tpu.memory_space<semaphore_mem>>)
      %dma_start3A_31 = arith.constant 0 : i32
      %dma_start3A_32 = arith.constant 0 : i32
      %dma_start3A_33 = tpu.memref_slice %arg4[%dma_start3A_31, %dma_start3A_32] : memref<10000x128xf32, #tpu.memory_space<hbm>> -> memref<10000x128xf32, #tpu.memory_space<hbm>>
      tpu.enqueue_indirect_dma source(%dma_start3A_33 : memref<10000x128xf32, #tpu.memory_space<hbm>>) target(%arg13 : memref<40x128xf32, #tpu.memory_space<vmem>>) offsets(%arg10 : memref<40xi32, #tpu.memory_space<vmem>>) semaphore(%arg17 : memref<!tpu.dma_semaphore, #tpu.memory_space<semaphore_mem>>)
      "tpu.region"() ({
        %run_scoped3A = tpu.sem_alloc : memref<!tpu.dma_semaphore, #tpu.memory_space<semaphore_mem>>
        %dma_start3A_47 = arith.constant 0 : i32
        %dma_start3A_48 = tpu.memref_slice %arg3[%add3A_28, %dma_start3A_47] : memref<640000x16xf32, #tpu.memory_space<hbm>> -> memref<40x16xf32, #tpu.memory_space<hbm>>
        %dma_start3A_49 = arith.constant 0 : i32
        %dma_start3A_50 = tpu.memref_slice %arg3[%add3A_28, %dma_start3A_49] : memref<640000x16xf32, #tpu.memory_space<hbm>> -> memref<40x16xf32, #tpu.memory_space<hbm>>
        tpu.enqueue_dma source(%dma_start3A_50 : memref<40x16xf32, #tpu.memory_space<hbm>>) target(%arg12 : memref<40x16xf32, #tpu.memory_space<vmem>>) target_semaphore(%run_scoped3A : memref<!tpu.dma_semaphore, #tpu.memory_space<semaphore_mem>>)
        %dma_wait3A_51 = arith.constant 0 : i32
        %dma_wait3A_52 = tpu.memref_slice %arg3[%add3A_28, %dma_wait3A_51] : memref<640000x16xf32, #tpu.memory_space<hbm>> -> memref<40x16xf32, #tpu.memory_space<hbm>>
        %dma_wait3A_53 = arith.constant 0 : i32
        %dma_wait3A_54 = tpu.memref_slice %arg3[%add3A_28, %dma_wait3A_53] : memref<640000x16xf32, #tpu.memory_space<hbm>> -> memref<40x16xf32, #tpu.memory_space<hbm>>
        tpu.wait_dma2 semaphore(%run_scoped3A : memref<!tpu.dma_semaphore, #tpu.memory_space<semaphore_mem>>) src(%dma_wait3A_54 : memref<40x16xf32, #tpu.memory_space<hbm>>) dst(%arg12 : memref<40x16xf32, #tpu.memory_space<vmem>>)
        tpu.yield
      }) : () -> ()
      %dma_wait3A = arith.constant 0 : i32
      %dma_wait3A_34 = arith.constant 0 : i32
      %dma_wait3A_35 = tpu.memref_slice %arg4[%dma_wait3A, %dma_wait3A_34] : memref<10000x128xf32, #tpu.memory_space<hbm>> -> memref<10000x128xf32, #tpu.memory_space<hbm>>
      tpu.wait_indirect_dma semaphore(%arg17 : memref<!tpu.dma_semaphore, #tpu.memory_space<semaphore_mem>>) src(%dma_wait3A_35 : memref<10000x128xf32, #tpu.memory_space<hbm>>) dst(%arg13 : memref<40x128xf32, #tpu.memory_space<vmem>>)
      %dma_wait3A_36 = arith.constant 0 : i32
      %dma_wait3A_37 = arith.constant 0 : i32
      %dma_wait3A_38 = tpu.memref_slice %arg2[%dma_wait3A_36, %dma_wait3A_37] : memref<10000x512xf32, #tpu.memory_space<hbm>> -> memref<10000x512xf32, #tpu.memory_space<hbm>>
      tpu.wait_indirect_dma semaphore(%arg16 : memref<!tpu.dma_semaphore, #tpu.memory_space<semaphore_mem>>) src(%dma_wait3A_38 : memref<10000x512xf32, #tpu.memory_space<hbm>>) dst(%arg11 : memref<40x512xf32, #tpu.memory_space<vmem>>)
      %scan3A_39 = arith.constant 0 : i32
      %scan3A_40 = arith.constant 0 : i32
      %scan3A_41 = arith.constant 40 : i32
      %scan3A_42 = arith.addi %scan3A_40, %scan3A_41 : i32
      %scan3A_43 = arith.constant 1 : i32
      %scan3A_44 = scf.for %scan3A_47 = %scan3A_40 to %scan3A_42 step %scan3A_43 iter_args(%scan3A_48 = %scan3A_39) -> (i32)  : i32 {
        %get3A = arith.index_cast %scan3A_47 : i32 to index
        %get3A_49 = arith.constant 0 : index
        %get3A_50 = tpu.vector_load %arg12[%get3A, %get3A_49] {strides = array<i32>} : memref<40x16xf32, #tpu.memory_space<vmem>>, vector<1x16xf32>,
        %get3A_51 = vector.shape_cast %get3A_50 : vector<1x16xf32> to vector<16xf32>
        %get3A_52 = arith.index_cast %scan3A_47 : i32 to index
        %get3A_53 = arith.constant 0 : index
        %get3A_54 = tpu.vector_load %arg13[%get3A_52, %get3A_53] {strides = array<i32>} : memref<40x128xf32, #tpu.memory_space<vmem>>, vector<1x16xf32>,
        %get3A_55 = vector.shape_cast %get3A_54 : vector<1x16xf32> to vector<16xf32>
        %mul3A_56 = arith.mulf %get3A_51, %get3A_55 : vector<16xf32>
        %broadcast_in_dim3A = arith.constant 0.000000e+00 : f32
        %broadcast_in_dim3A_57 = vector.broadcast %broadcast_in_dim3A : f32 to vector<16xf32>
        %broadcast_in_dim3A_58 = arith.constant 0.000000e+00 : f32
        %broadcast_in_dim3A_59 = vector.broadcast %broadcast_in_dim3A_58 : f32 to vector<16xf32>
        %broadcast_in_dim3A_60 = arith.constant 0.000000e+00 : f32
        %broadcast_in_dim3A_61 = vector.broadcast %broadcast_in_dim3A_60 : f32 to vector<16xf32>
        %broadcast_in_dim3A_62 = arith.constant 0.000000e+00 : f32
        %broadcast_in_dim3A_63 = vector.broadcast %broadcast_in_dim3A_62 : f32 to vector<16xf32>
        %slice3A = vector.extract_strided_slice %mul3A_56 {offsets = [0], sizes = [1], strides = [1]} : vector<16xf32> to vector<1xf32>
        %squeeze3A = vector.extract %slice3A[0] : f32 from vector<1xf32>
        %broadcast_in_dim3A_64 = vector.broadcast %squeeze3A : f32 to vector<16xf32>
        %get3A_65 = arith.index_cast %scan3A_47 : i32 to index
        %get3A_66 = arith.constant 0 : index
        %get3A_67 = tpu.vector_load %arg11[%get3A_65, %get3A_66] {strides = array<i32>} : memref<40x512xf32, #tpu.memory_space<vmem>>, vector<1x16xf32>,
        %get3A_68 = vector.shape_cast %get3A_67 : vector<1x16xf32> to vector<16xf32>
        %mul3A_69 = arith.mulf %broadcast_in_dim3A_64, %get3A_68 : vector<16xf32>
        %add3A_70 = arith.addf %broadcast_in_dim3A_57, %mul3A_69 : vector<16xf32>
        %get3A_71 = arith.index_cast %scan3A_47 : i32 to index
        %get3A_72 = arith.constant 16 : index
        %get3A_73 = tpu.vector_load %arg11[%get3A_71, %get3A_72] {strides = array<i32>} : memref<40x512xf32, #tpu.memory_space<vmem>>, vector<1x16xf32>,
        %get3A_74 = vector.shape_cast %get3A_73 : vector<1x16xf32> to vector<16xf32>
        %mul3A_75 = arith.mulf %broadcast_in_dim3A_64, %get3A_74 : vector<16xf32>
        %add3A_76 = arith.addf %broadcast_in_dim3A_59, %mul3A_75 : vector<16xf32>
        %get3A_77 = arith.index_cast %scan3A_47 : i32 to index
        %get3A_78 = arith.constant 32 : index
        %get3A_79 = tpu.vector_load %arg11[%get3A_77, %get3A_78] {strides = array<i32>} : memref<40x512xf32, #tpu.memory_space<vmem>>, vector<1x16xf32>,
        %get3A_80 = vector.shape_cast %get3A_79 : vector<1x16xf32> to vector<16xf32>
        %mul3A_81 = arith.mulf %broadcast_in_dim3A_64, %get3A_80 : vector<16xf32>
        %add3A_82 = arith.addf %broadcast_in_dim3A_61, %mul3A_81 : vector<16xf32>
        %get3A_83 = arith.index_cast %scan3A_47 : i32 to index
        %get3A_84 = arith.constant 48 : index
        %get3A_85 = tpu.vector_load %arg11[%get3A_83, %get3A_84] {strides = array<i32>} : memref<40x512xf32, #tpu.memory_space<vmem>>, vector<1x16xf32>,
        %get3A_86 = vector.shape_cast %get3A_85 : vector<1x16xf32> to vector<16xf32>
        %mul3A_87 = arith.mulf %broadcast_in_dim3A_64, %get3A_86 : vector<16xf32>
        %add3A_88 = arith.addf %broadcast_in_dim3A_63, %mul3A_87 : vector<16xf32>
        %slice3A_89 = vector.extract_strided_slice %mul3A_56 {offsets = [1], sizes = [1], strides = [1]} : vector<16xf32> to vector<1xf32>
        %squeeze3A_90 = vector.extract %slice3A_89[0] : f32 from vector<1xf32>
        %broadcast_in_dim3A_91 = vector.broadcast %squeeze3A_90 : f32 to vector<16xf32>
        %get3A_92 = arith.index_cast %scan3A_47 : i32 to index
        %get3A_93 = arith.constant 64 : index
        %get3A_94 = tpu.vector_load %arg11[%get3A_92, %get3A_93] {strides = array<i32>} : memref<40x512xf32, #tpu.memory_space<vmem>>, vector<1x16xf32>,
        %get3A_95 = vector.shape_cast %get3A_94 : vector<1x16xf32> to vector<16xf32>
        %mul3A_96 = arith.mulf %broadcast_in_dim3A_91, %get3A_95 : vector<16xf32>
        %add3A_97 = arith.addf %add3A_70, %mul3A_96 : vector<16xf32>
        %get3A_98 = arith.index_cast %scan3A_47 : i32 to index
        %get3A_99 = arith.constant 80 : index
        %get3A_100 = tpu.vector_load %arg11[%get3A_98, %get3A_99] {strides = array<i32>} : memref<40x512xf32, #tpu.memory_space<vmem>>, vector<1x16xf32>,
        %get3A_101 = vector.shape_cast %get3A_100 : vector<1x16xf32> to vector<16xf32>
        %mul3A_102 = arith.mulf %broadcast_in_dim3A_91, %get3A_101 : vector<16xf32>
        %add3A_103 = arith.addf %add3A_76, %mul3A_102 : vector<16xf32>
        %get3A_104 = arith.index_cast %scan3A_47 : i32 to index
        %get3A_105 = arith.constant 96 : index
        %get3A_106 = tpu.vector_load %arg11[%get3A_104, %get3A_105] {strides = array<i32>} : memref<40x512xf32, #tpu.memory_space<vmem>>, vector<1x16xf32>,
        %get3A_107 = vector.shape_cast %get3A_106 : vector<1x16xf32> to vector<16xf32>
        %mul3A_108 = arith.mulf %broadcast_in_dim3A_91, %get3A_107 : vector<16xf32>
        %add3A_109 = arith.addf %add3A_82, %mul3A_108 : vector<16xf32>
        %get3A_110 = arith.index_cast %scan3A_47 : i32 to index
        %get3A_111 = arith.constant 112 : index
        %get3A_112 = tpu.vector_load %arg11[%get3A_110, %get3A_111] {strides = array<i32>} : memref<40x512xf32, #tpu.memory_space<vmem>>, vector<1x16xf32>,
        %get3A_113 = vector.shape_cast %get3A_112 : vector<1x16xf32> to vector<16xf32>
        %mul3A_114 = arith.mulf %broadcast_in_dim3A_91, %get3A_113 : vector<16xf32>
        %add3A_115 = arith.addf %add3A_88, %mul3A_114 : vector<16xf32>
        %slice3A_116 = vector.extract_strided_slice %mul3A_56 {offsets = [2], sizes = [1], strides = [1]} : vector<16xf32> to vector<1xf32>
        %squeeze3A_117 = vector.extract %slice3A_116[0] : f32 from vector<1xf32>
        %broadcast_in_dim3A_118 = vector.broadcast %squeeze3A_117 : f32 to vector<16xf32>
        %get3A_119 = arith.index_cast %scan3A_47 : i32 to index
        %get3A_120 = arith.constant 128 : index
        %get3A_121 = tpu.vector_load %arg11[%get3A_119, %get3A_120] {strides = array<i32>} : memref<40x512xf32, #tpu.memory_space<vmem>>, vector<1x16xf32>,
        %get3A_122 = vector.shape_cast %get3A_121 : vector<1x16xf32> to vector<16xf32>
        %mul3A_123 = arith.mulf %broadcast_in_dim3A_118, %get3A_122 : vector<16xf32>
        %add3A_124 = arith.addf %add3A_97, %mul3A_123 : vector<16xf32>
        %get3A_125 = arith.index_cast %scan3A_47 : i32 to index
        %get3A_126 = arith.constant 144 : index
        %get3A_127 = tpu.vector_load %arg11[%get3A_125, %get3A_126] {strides = array<i32>} : memref<40x512xf32, #tpu.memory_space<vmem>>, vector<1x16xf32>,
        %get3A_128 = vector.shape_cast %get3A_127 : vector<1x16xf32> to vector<16xf32>
        %mul3A_129 = arith.mulf %broadcast_in_dim3A_118, %get3A_128 : vector<16xf32>
        %add3A_130 = arith.addf %add3A_103, %mul3A_129 : vector<16xf32>
        %get3A_131 = arith.index_cast %scan3A_47 : i32 to index
        %get3A_132 = arith.constant 160 : index
        %get3A_133 = tpu.vector_load %arg11[%get3A_131, %get3A_132] {strides = array<i32>} : memref<40x512xf32, #tpu.memory_space<vmem>>, vector<1x16xf32>,
        %get3A_134 = vector.shape_cast %get3A_133 : vector<1x16xf32> to vector<16xf32>
        %mul3A_135 = arith.mulf %broadcast_in_dim3A_118, %get3A_134 : vector<16xf32>
        %add3A_136 = arith.addf %add3A_109, %mul3A_135 : vector<16xf32>
        %get3A_137 = arith.index_cast %scan3A_47 : i32 to index
        %get3A_138 = arith.constant 176 : index
        %get3A_139 = tpu.vector_load %arg11[%get3A_137, %get3A_138] {strides = array<i32>} : memref<40x512xf32, #tpu.memory_space<vmem>>, vector<1x16xf32>,
        %get3A_140 = vector.shape_cast %get3A_139 : vector<1x16xf32> to vector<16xf32>
        %mul3A_141 = arith.mulf %broadcast_in_dim3A_118, %get3A_140 : vector<16xf32>
        %add3A_142 = arith.addf %add3A_115, %mul3A_141 : vector<16xf32>
        %slice3A_143 = vector.extract_strided_slice %mul3A_56 {offsets = [3], sizes = [1], strides = [1]} : vector<16xf32> to vector<1xf32>
        %squeeze3A_144 = vector.extract %slice3A_143[0] : f32 from vector<1xf32>
        %broadcast_in_dim3A_145 = vector.broadcast %squeeze3A_144 : f32 to vector<16xf32>
        %get3A_146 = arith.index_cast %scan3A_47 : i32 to index
        %get3A_147 = arith.constant 192 : index
        %get3A_148 = tpu.vector_load %arg11[%get3A_146, %get3A_147] {strides = array<i32>} : memref<40x512xf32, #tpu.memory_space<vmem>>, vector<1x16xf32>,
        %get3A_149 = vector.shape_cast %get3A_148 : vector<1x16xf32> to vector<16xf32>
        %mul3A_150 = arith.mulf %broadcast_in_dim3A_145, %get3A_149 : vector<16xf32>
        %add3A_151 = arith.addf %add3A_124, %mul3A_150 : vector<16xf32>
        %get3A_152 = arith.index_cast %scan3A_47 : i32 to index
        %get3A_153 = arith.constant 208 : index
        %get3A_154 = tpu.vector_load %arg11[%get3A_152, %get3A_153] {strides = array<i32>} : memref<40x512xf32, #tpu.memory_space<vmem>>, vector<1x16xf32>,
        %get3A_155 = vector.shape_cast %get3A_154 : vector<1x16xf32> to vector<16xf32>
        %mul3A_156 = arith.mulf %broadcast_in_dim3A_145, %get3A_155 : vector<16xf32>
        %add3A_157 = arith.addf %add3A_130, %mul3A_156 : vector<16xf32>
        %get3A_158 = arith.index_cast %scan3A_47 : i32 to index
        %get3A_159 = arith.constant 224 : index
        %get3A_160 = tpu.vector_load %arg11[%get3A_158, %get3A_159] {strides = array<i32>} : memref<40x512xf32, #tpu.memory_space<vmem>>, vector<1x16xf32>,
        %get3A_161 = vector.shape_cast %get3A_160 : vector<1x16xf32> to vector<16xf32>
        %mul3A_162 = arith.mulf %broadcast_in_dim3A_145, %get3A_161 : vector<16xf32>
        %add3A_163 = arith.addf %add3A_136, %mul3A_162 : vector<16xf32>
        %get3A_164 = arith.index_cast %scan3A_47 : i32 to index
        %get3A_165 = arith.constant 240 : index
        %get3A_166 = tpu.vector_load %arg11[%get3A_164, %get3A_165] {strides = array<i32>} : memref<40x512xf32, #tpu.memory_space<vmem>>, vector<1x16xf32>,
        %get3A_167 = vector.shape_cast %get3A_166 : vector<1x16xf32> to vector<16xf32>
        %mul3A_168 = arith.mulf %broadcast_in_dim3A_145, %get3A_167 : vector<16xf32>
        %add3A_169 = arith.addf %add3A_142, %mul3A_168 : vector<16xf32>
        %slice3A_170 = vector.extract_strided_slice %mul3A_56 {offsets = [4], sizes = [1], strides = [1]} : vector<16xf32> to vector<1xf32>
        %squeeze3A_171 = vector.extract %slice3A_170[0] : f32 from vector<1xf32>
        %broadcast_in_dim3A_172 = vector.broadcast %squeeze3A_171 : f32 to vector<16xf32>
        %get3A_173 = arith.index_cast %scan3A_47 : i32 to index
        %get3A_174 = arith.constant 256 : index
        %get3A_175 = tpu.vector_load %arg11[%get3A_173, %get3A_174] {strides = array<i32>} : memref<40x512xf32, #tpu.memory_space<vmem>>, vector<1x16xf32>,
        %get3A_176 = vector.shape_cast %get3A_175 : vector<1x16xf32> to vector<16xf32>
        %mul3A_177 = arith.mulf %broadcast_in_dim3A_172, %get3A_176 : vector<16xf32>
        %add3A_178 = arith.addf %add3A_151, %mul3A_177 : vector<16xf32>
        %get3A_179 = arith.index_cast %scan3A_47 : i32 to index
        %get3A_180 = arith.constant 272 : index
        %get3A_181 = tpu.vector_load %arg11[%get3A_179, %get3A_180] {strides = array<i32>} : memref<40x512xf32, #tpu.memory_space<vmem>>, vector<1x16xf32>,
        %get3A_182 = vector.shape_cast %get3A_181 : vector<1x16xf32> to vector<16xf32>
        %mul3A_183 = arith.mulf %broadcast_in_dim3A_172, %get3A_182 : vector<16xf32>
        %add3A_184 = arith.addf %add3A_157, %mul3A_183 : vector<16xf32>
        %get3A_185 = arith.index_cast %scan3A_47 : i32 to index
        %get3A_186 = arith.constant 288 : index
        %get3A_187 = tpu.vector_load %arg11[%get3A_185, %get3A_186] {strides = array<i32>} : memref<40x512xf32, #tpu.memory_space<vmem>>, vector<1x16xf32>,
        %get3A_188 = vector.shape_cast %get3A_187 : vector<1x16xf32> to vector<16xf32>
        %mul3A_189 = arith.mulf %broadcast_in_dim3A_172, %get3A_188 : vector<16xf32>
        %add3A_190 = arith.addf %add3A_163, %mul3A_189 : vector<16xf32>
        %get3A_191 = arith.index_cast %scan3A_47 : i32 to index
        %get3A_192 = arith.constant 304 : index
        %get3A_193 = tpu.vector_load %arg11[%get3A_191, %get3A_192] {strides = array<i32>} : memref<40x512xf32, #tpu.memory_space<vmem>>, vector<1x16xf32>,
        %get3A_194 = vector.shape_cast %get3A_193 : vector<1x16xf32> to vector<16xf32>
        %mul3A_195 = arith.mulf %broadcast_in_dim3A_172, %get3A_194 : vector<16xf32>
        %add3A_196 = arith.addf %add3A_169, %mul3A_195 : vector<16xf32>
        %slice3A_197 = vector.extract_strided_slice %mul3A_56 {offsets = [5], sizes = [1], strides = [1]} : vector<16xf32> to vector<1xf32>
        %squeeze3A_198 = vector.extract %slice3A_197[0] : f32 from vector<1xf32>
        %broadcast_in_dim3A_199 = vector.broadcast %squeeze3A_198 : f32 to vector<16xf32>
        %get3A_200 = arith.index_cast %scan3A_47 : i32 to index
        %get3A_201 = arith.constant 320 : index
        %get3A_202 = tpu.vector_load %arg11[%get3A_200, %get3A_201] {strides = array<i32>} : memref<40x512xf32, #tpu.memory_space<vmem>>, vector<1x16xf32>,
        %get3A_203 = vector.shape_cast %get3A_202 : vector<1x16xf32> to vector<16xf32>
        %mul3A_204 = arith.mulf %broadcast_in_dim3A_199, %get3A_203 : vector<16xf32>
        %add3A_205 = arith.addf %add3A_178, %mul3A_204 : vector<16xf32>
        %get3A_206 = arith.index_cast %scan3A_47 : i32 to index
        %get3A_207 = arith.constant 336 : index
        %get3A_208 = tpu.vector_load %arg11[%get3A_206, %get3A_207] {strides = array<i32>} : memref<40x512xf32, #tpu.memory_space<vmem>>, vector<1x16xf32>,
        %get3A_209 = vector.shape_cast %get3A_208 : vector<1x16xf32> to vector<16xf32>
        %mul3A_210 = arith.mulf %broadcast_in_dim3A_199, %get3A_209 : vector<16xf32>
        %add3A_211 = arith.addf %add3A_184, %mul3A_210 : vector<16xf32>
        %get3A_212 = arith.index_cast %scan3A_47 : i32 to index
        %get3A_213 = arith.constant 352 : index
        %get3A_214 = tpu.vector_load %arg11[%get3A_212, %get3A_213] {strides = array<i32>} : memref<40x512xf32, #tpu.memory_space<vmem>>, vector<1x16xf32>,
        %get3A_215 = vector.shape_cast %get3A_214 : vector<1x16xf32> to vector<16xf32>
        %mul3A_216 = arith.mulf %broadcast_in_dim3A_199, %get3A_215 : vector<16xf32>
        %add3A_217 = arith.addf %add3A_190, %mul3A_216 : vector<16xf32>
        %get3A_218 = arith.index_cast %scan3A_47 : i32 to index
        %get3A_219 = arith.constant 368 : index
        %get3A_220 = tpu.vector_load %arg11[%get3A_218, %get3A_219] {strides = array<i32>} : memref<40x512xf32, #tpu.memory_space<vmem>>, vector<1x16xf32>,
        %get3A_221 = vector.shape_cast %get3A_220 : vector<1x16xf32> to vector<16xf32>
        %mul3A_222 = arith.mulf %broadcast_in_dim3A_199, %get3A_221 : vector<16xf32>
        %add3A_223 = arith.addf %add3A_196, %mul3A_222 : vector<16xf32>
        %slice3A_224 = vector.extract_strided_slice %mul3A_56 {offsets = [6], sizes = [1], strides = [1]} : vector<16xf32> to vector<1xf32>
        %squeeze3A_225 = vector.extract %slice3A_224[0] : f32 from vector<1xf32>
        %broadcast_in_dim3A_226 = vector.broadcast %squeeze3A_225 : f32 to vector<16xf32>
        %get3A_227 = arith.index_cast %scan3A_47 : i32 to index
        %get3A_228 = arith.constant 384 : index
        %get3A_229 = tpu.vector_load %arg11[%get3A_227, %get3A_228] {strides = array<i32>} : memref<40x512xf32, #tpu.memory_space<vmem>>, vector<1x16xf32>,
        %get3A_230 = vector.shape_cast %get3A_229 : vector<1x16xf32> to vector<16xf32>
        %mul3A_231 = arith.mulf %broadcast_in_dim3A_226, %get3A_230 : vector<16xf32>
        %add3A_232 = arith.addf %add3A_205, %mul3A_231 : vector<16xf32>
        %get3A_233 = arith.index_cast %scan3A_47 : i32 to index
        %get3A_234 = arith.constant 400 : index
        %get3A_235 = tpu.vector_load %arg11[%get3A_233, %get3A_234] {strides = array<i32>} : memref<40x512xf32, #tpu.memory_space<vmem>>, vector<1x16xf32>,
        %get3A_236 = vector.shape_cast %get3A_235 : vector<1x16xf32> to vector<16xf32>
        %mul3A_237 = arith.mulf %broadcast_in_dim3A_226, %get3A_236 : vector<16xf32>
        %add3A_238 = arith.addf %add3A_211, %mul3A_237 : vector<16xf32>
        %get3A_239 = arith.index_cast %scan3A_47 : i32 to index
        %get3A_240 = arith.constant 416 : index
        %get3A_241 = tpu.vector_load %arg11[%get3A_239, %get3A_240] {strides = array<i32>} : memref<40x512xf32, #tpu.memory_space<vmem>>, vector<1x16xf32>,
        %get3A_242 = vector.shape_cast %get3A_241 : vector<1x16xf32> to vector<16xf32>
        %mul3A_243 = arith.mulf %broadcast_in_dim3A_226, %get3A_242 : vector<16xf32>
        %add3A_244 = arith.addf %add3A_217, %mul3A_243 : vector<16xf32>
        %get3A_245 = arith.index_cast %scan3A_47 : i32 to index
        %get3A_246 = arith.constant 432 : index
        %get3A_247 = tpu.vector_load %arg11[%get3A_245, %get3A_246] {strides = array<i32>} : memref<40x512xf32, #tpu.memory_space<vmem>>, vector<1x16xf32>,
        %get3A_248 = vector.shape_cast %get3A_247 : vector<1x16xf32> to vector<16xf32>
        %mul3A_249 = arith.mulf %broadcast_in_dim3A_226, %get3A_248 : vector<16xf32>
        %add3A_250 = arith.addf %add3A_223, %mul3A_249 : vector<16xf32>
        %slice3A_251 = vector.extract_strided_slice %mul3A_56 {offsets = [7], sizes = [1], strides = [1]} : vector<16xf32> to vector<1xf32>
        %squeeze3A_252 = vector.extract %slice3A_251[0] : f32 from vector<1xf32>
        %broadcast_in_dim3A_253 = vector.broadcast %squeeze3A_252 : f32 to vector<16xf32>
        %get3A_254 = arith.index_cast %scan3A_47 : i32 to index
        %get3A_255 = arith.constant 448 : index
        %get3A_256 = tpu.vector_load %arg11[%get3A_254, %get3A_255] {strides = array<i32>} : memref<40x512xf32, #tpu.memory_space<vmem>>, vector<1x16xf32>,
        %get3A_257 = vector.shape_cast %get3A_256 : vector<1x16xf32> to vector<16xf32>
        %mul3A_258 = arith.mulf %broadcast_in_dim3A_253, %get3A_257 : vector<16xf32>
        %add3A_259 = arith.addf %add3A_232, %mul3A_258 : vector<16xf32>
        %get3A_260 = arith.index_cast %scan3A_47 : i32 to index
        %get3A_261 = arith.constant 464 : index
        %get3A_262 = tpu.vector_load %arg11[%get3A_260, %get3A_261] {strides = array<i32>} : memref<40x512xf32, #tpu.memory_space<vmem>>, vector<1x16xf32>,
        %get3A_263 = vector.shape_cast %get3A_262 : vector<1x16xf32> to vector<16xf32>
        %mul3A_264 = arith.mulf %broadcast_in_dim3A_253, %get3A_263 : vector<16xf32>
        %add3A_265 = arith.addf %add3A_238, %mul3A_264 : vector<16xf32>
        %get3A_266 = arith.index_cast %scan3A_47 : i32 to index
        %get3A_267 = arith.constant 480 : index
        %get3A_268 = tpu.vector_load %arg11[%get3A_266, %get3A_267] {strides = array<i32>} : memref<40x512xf32, #tpu.memory_space<vmem>>, vector<1x16xf32>,
        %get3A_269 = vector.shape_cast %get3A_268 : vector<1x16xf32> to vector<16xf32>
        %mul3A_270 = arith.mulf %broadcast_in_dim3A_253, %get3A_269 : vector<16xf32>
        %add3A_271 = arith.addf %add3A_244, %mul3A_270 : vector<16xf32>
        %get3A_272 = arith.index_cast %scan3A_47 : i32 to index
        %get3A_273 = arith.constant 496 : index
        %get3A_274 = tpu.vector_load %arg11[%get3A_272, %get3A_273] {strides = array<i32>} : memref<40x512xf32, #tpu.memory_space<vmem>>, vector<1x16xf32>,
        %get3A_275 = vector.shape_cast %get3A_274 : vector<1x16xf32> to vector<16xf32>
        %mul3A_276 = arith.mulf %broadcast_in_dim3A_253, %get3A_275 : vector<16xf32>
        %add3A_277 = arith.addf %add3A_250, %mul3A_276 : vector<16xf32>
        %swap3A = arith.index_cast %scan3A_47 : i32 to index
        %swap3A_278 = arith.constant 0 : index
        %swap3A_279 = tpu.vector_load %arg14[%swap3A, %swap3A_278] {strides = array<i32>} : memref<40x128xf32, #tpu.memory_space<vmem>>, vector<1x16xf32>,
        %swap3A_280 = vector.shape_cast %swap3A_279 : vector<1x16xf32> to vector<16xf32>
        %swap3A_281 = vector.shape_cast %add3A_259 : vector<16xf32> to vector<1x16xf32>
        tpu.vector_store %arg14[%swap3A, %swap3A_278], %swap3A_281 {strides = array<i32>} : memref<40x128xf32, #tpu.memory_space<vmem>>, vector<1x16xf32>,
        %swap3A_282 = arith.index_cast %scan3A_47 : i32 to index
        %swap3A_283 = arith.constant 16 : index
        %swap3A_284 = tpu.vector_load %arg14[%swap3A_282, %swap3A_283] {strides = array<i32>} : memref<40x128xf32, #tpu.memory_space<vmem>>, vector<1x16xf32>,
        %swap3A_285 = vector.shape_cast %swap3A_284 : vector<1x16xf32> to vector<16xf32>
        %swap3A_286 = vector.shape_cast %add3A_265 : vector<16xf32> to vector<1x16xf32>
        tpu.vector_store %arg14[%swap3A_282, %swap3A_283], %swap3A_286 {strides = array<i32>} : memref<40x128xf32, #tpu.memory_space<vmem>>, vector<1x16xf32>,
        %swap3A_287 = arith.index_cast %scan3A_47 : i32 to index
        %swap3A_288 = arith.constant 32 : index
        %swap3A_289 = tpu.vector_load %arg14[%swap3A_287, %swap3A_288] {strides = array<i32>} : memref<40x128xf32, #tpu.memory_space<vmem>>, vector<1x16xf32>,
        %swap3A_290 = vector.shape_cast %swap3A_289 : vector<1x16xf32> to vector<16xf32>
        %swap3A_291 = vector.shape_cast %add3A_271 : vector<16xf32> to vector<1x16xf32>
        tpu.vector_store %arg14[%swap3A_287, %swap3A_288], %swap3A_291 {strides = array<i32>} : memref<40x128xf32, #tpu.memory_space<vmem>>, vector<1x16xf32>,
        %swap3A_292 = arith.index_cast %scan3A_47 : i32 to index
        %swap3A_293 = arith.constant 48 : index
        %swap3A_294 = tpu.vector_load %arg14[%swap3A_292, %swap3A_293] {strides = array<i32>} : memref<40x128xf32, #tpu.memory_space<vmem>>, vector<1x16xf32>,
        %swap3A_295 = vector.shape_cast %swap3A_294 : vector<1x16xf32> to vector<16xf32>
        %swap3A_296 = vector.shape_cast %add3A_277 : vector<16xf32> to vector<1x16xf32>
        tpu.vector_store %arg14[%swap3A_292, %swap3A_293], %swap3A_296 {strides = array<i32>} : memref<40x128xf32, #tpu.memory_space<vmem>>, vector<1x16xf32>,
        %scan3A_297 = arith.constant 0 : i32
        scf.yield %scan3A_297 : i32
      }
      %scan3A_45 = arith.constant 40 : i32
      "tpu.region"() ({
        %run_scoped3A = tpu.sem_alloc : memref<!tpu.dma_semaphore, #tpu.memory_space<semaphore_mem>>
        %dma_start3A_47 = arith.constant 0 : i32
        %dma_start3A_48 = arith.constant 0 : i32
        %dma_start3A_49 = tpu.memref_slice %arg15[%dma_start3A_47, %dma_start3A_48] : memref<10000x128xf32, #tpu.memory_space<vmem_shared>> -> memref<10000x128xf32, #tpu.memory_space<vmem_shared>>
        tpu.enqueue_indirect_dma source(%arg14 : memref<40x128xf32, #tpu.memory_space<vmem>>) target(%dma_start3A_49 : memref<10000x128xf32, #tpu.memory_space<vmem_shared>>) offsets(%arg10 : memref<40xi32, #tpu.memory_space<vmem>>) semaphore(%run_scoped3A : memref<!tpu.dma_semaphore, #tpu.memory_space<semaphore_mem>>) {add = true}
        %dma_wait3A_50 = arith.constant 0 : i32
        %dma_wait3A_51 = arith.constant 0 : i32
        %dma_wait3A_52 = tpu.memref_slice %arg15[%dma_wait3A_50, %dma_wait3A_51] : memref<10000x128xf32, #tpu.memory_space<vmem_shared>> -> memref<10000x128xf32, #tpu.memory_space<vmem_shared>>
        tpu.wait_indirect_dma semaphore(%run_scoped3A : memref<!tpu.dma_semaphore, #tpu.memory_space<semaphore_mem>>) src(%arg14 : memref<40x128xf32, #tpu.memory_space<vmem>>) dst(%dma_wait3A_52 : memref<10000x128xf32, #tpu.memory_space<vmem_shared>>)
        tpu.yield
      }) : () -> ()
      %scan3A_46 = arith.constant 0 : i32
      scf.yield %scan3A_46 : i32
    }
    %scan3A_15 = arith.constant 500 : i32
    %barrier3A_16 = arith.constant 0 : index
    tpu.barrier barrier_id(%barrier3A_16)
    %lt3A_17 = arith.constant 10 : i32
    %lt3A_18 = arith.cmpi slt, %arg1, %lt3A_17 : i32
    %convert_element_type3A_19 = arith.extui %lt3A_18 : i1 to i32
    %cond3A_20 = arith.constant 0 : i32
    %cond3A_21 = arith.cmpi ne, %convert_element_type3A_19, %cond3A_20 : i32
    scf.if %cond3A_21 {
      %mul3A_22 = arith.constant 1000 : i32
      %mul3A_23 = arith.muli %arg1, %mul3A_22 : i32
      %mul3A_24 = arith.constant 1000 : i32
      %mul3A_25 = arith.muli %arg1, %mul3A_24 : i32
      "tpu.region"() ({
        %run_scoped3A = tpu.sem_alloc : memref<!tpu.dma_semaphore, #tpu.memory_space<semaphore_mem>>
        %dma_start3A = arith.constant 0 : i32
        %dma_start3A_26 = tpu.memref_slice %arg8[%arg0, %mul3A_25, %dma_start3A] : memref<2x10000x128xf32, #tpu.memory_space<hbm>> -> memref<1x1000x128xf32, #tpu.memory_space<hbm>>
        %dma_start3A_27 = tpu.memref_squeeze %dma_start3A_26 : memref<1x1000x128xf32, #tpu.memory_space<hbm>> -> memref<1000x128xf32, #tpu.memory_space<hbm>>
        %dma_start3A_28 = arith.constant 0 : i32
        %dma_start3A_29 = tpu.memref_slice %arg15[%mul3A_23, %dma_start3A_28] : memref<10000x128xf32, #tpu.memory_space<vmem_shared>> -> memref<1000x128xf32, #tpu.memory_space<vmem_shared>>
        tpu.enqueue_dma source(%dma_start3A_29 : memref<1000x128xf32, #tpu.memory_space<vmem_shared>>) target(%dma_start3A_27 : memref<1000x128xf32, #tpu.memory_space<hbm>>) target_semaphore(%run_scoped3A : memref<!tpu.dma_semaphore, #tpu.memory_space<semaphore_mem>>)
        %dma_wait3A = arith.constant 0 : i32
        %dma_wait3A_30 = tpu.memref_slice %arg8[%arg0, %mul3A_25, %dma_wait3A] : memref<2x10000x128xf32, #tpu.memory_space<hbm>> -> memref<1x1000x128xf32, #tpu.memory_space<hbm>>
        %dma_wait3A_31 = tpu.memref_squeeze %dma_wait3A_30 : memref<1x1000x128xf32, #tpu.memory_space<hbm>> -> memref<1000x128xf32, #tpu.memory_space<hbm>>
        %dma_wait3A_32 = arith.constant 0 : i32
        %dma_wait3A_33 = tpu.memref_slice %arg15[%mul3A_23, %dma_wait3A_32] : memref<10000x128xf32, #tpu.memory_space<vmem_shared>> -> memref<1000x128xf32, #tpu.memory_space<vmem_shared>>
        tpu.wait_dma2 semaphore(%run_scoped3A : memref<!tpu.dma_semaphore, #tpu.memory_space<semaphore_mem>>) src(%dma_wait3A_33 : memref<1000x128xf32, #tpu.memory_space<vmem_shared>>) dst(%dma_wait3A_31 : memref<1000x128xf32, #tpu.memory_space<hbm>>)
        tpu.yield
      }) : () -> ()
    } else {
    }
    return
  }
}

module attributes {stable_mosaic.version = 14 : i64} {
  func.func @_proj_kernel(%arg0: i32, %arg1: memref<400x116xf32, #tpu.memory_space<vmem>>, %arg2: memref<116x512xf32, #tpu.memory_space<vmem>>, %arg3: memref<512x128xf32, #tpu.memory_space<vmem>>, %arg4: memref<512x128xf32, #tpu.memory_space<vmem>>, %arg5: memref<400x512xf32, #tpu.memory_space<vmem>>, %arg6: memref<400x128xf32, #tpu.memory_space<vmem>>, %arg7: memref<400x128xf32, #tpu.memory_space<vmem>>) attributes {dimension_semantics = [#tpu.dimension_semantics<arbitrary>], iteration_bounds = array<i64: 25>, scalar_prefetch = 0 : i64, scratch_operands = 0 : i64, tpu.core_type = #tpu.core_type<tc>, window_params = [{transform_indices = @transform_0, window_bounds = array<i64: 400, 116>}, {pipeline_mode = #tpu.pipeline_mode<synchronous>, transform_indices = @transform_1, window_bounds = array<i64: 116, 512>}, {pipeline_mode = #tpu.pipeline_mode<synchronous>, transform_indices = @transform_2, window_bounds = array<i64: 512, 128>}, {pipeline_mode = #tpu.pipeline_mode<synchronous>, transform_indices = @transform_3, window_bounds = array<i64: 512, 128>}, {transform_indices = @transform_4, window_bounds = array<i64: 400, 512>}, {transform_indices = @transform_5, window_bounds = array<i64: 400, 128>}, {transform_indices = @transform_6, window_bounds = array<i64: 400, 128>}]} {
    %get3A = arith.constant 0 : index
    %get3A_0 = arith.constant 0 : index
    %get3A_1 = vector.load %arg1[%get3A, %get3A_0] : memref<400x116xf32, #tpu.memory_space<vmem>>, vector<400x116xf32>
    %get3A_2 = arith.constant 0 : index
    %get3A_3 = arith.constant 0 : index
    %get3A_4 = vector.load %arg2[%get3A_2, %get3A_3] : memref<116x512xf32, #tpu.memory_space<vmem>>, vector<116x512xf32>
    %dot_general3A = arith.constant dense<0.000000e+00> : vector<400x512xf32>
    %dot_general3A_5 = tpu.matmul %get3A_1, %get3A_4, %dot_general3A {dimension_numbers = #tpu.dot_dimension_numbers<[1], [0], [0], [1], [0, 0, 1, 1], [], []>, transpose_lhs_hint = false} : vector<400x116xf32>, vector<116x512xf32>, vector<400x512xf32> -> vector<400x512xf32>
    %swap3A = arith.constant 0 : index
    %swap3A_6 = arith.constant 0 : index
    %swap3A_7 = vector.load %arg5[%swap3A, %swap3A_6] : memref<400x512xf32, #tpu.memory_space<vmem>>, vector<400x512xf32>
    tpu.vector_store %arg5[%swap3A, %swap3A_6], %dot_general3A_5 {strides = array<i32>} : memref<400x512xf32, #tpu.memory_space<vmem>>, vector<400x512xf32>,
    %get3A_8 = arith.constant 0 : index
    %get3A_9 = arith.constant 0 : index
    %get3A_10 = vector.load %arg3[%get3A_8, %get3A_9] : memref<512x128xf32, #tpu.memory_space<vmem>>, vector<512x128xf32>
    %dot_general3A_11 = arith.constant dense<0.000000e+00> : vector<400x128xf32>
    %dot_general3A_12 = tpu.matmul %dot_general3A_5, %get3A_10, %dot_general3A_11 {dimension_numbers = #tpu.dot_dimension_numbers<[1], [0], [0], [1], [0, 0, 1, 1], [], []>, transpose_lhs_hint = false} : vector<400x512xf32>, vector<512x128xf32>, vector<400x128xf32> -> vector<400x128xf32>
    %swap3A_13 = arith.constant 0 : index
    %swap3A_14 = arith.constant 0 : index
    %swap3A_15 = vector.load %arg6[%swap3A_13, %swap3A_14] : memref<400x128xf32, #tpu.memory_space<vmem>>, vector<400x128xf32>
    tpu.vector_store %arg6[%swap3A_13, %swap3A_14], %dot_general3A_12 {strides = array<i32>} : memref<400x128xf32, #tpu.memory_space<vmem>>, vector<400x128xf32>,
    %get3A_16 = arith.constant 0 : index
    %get3A_17 = arith.constant 0 : index
    %get3A_18 = vector.load %arg4[%get3A_16, %get3A_17] : memref<512x128xf32, #tpu.memory_space<vmem>>, vector<512x128xf32>
    %dot_general3A_19 = arith.constant dense<0.000000e+00> : vector<400x128xf32>
    %dot_general3A_20 = tpu.matmul %dot_general3A_5, %get3A_18, %dot_general3A_19 {dimension_numbers = #tpu.dot_dimension_numbers<[1], [0], [0], [1], [0, 0, 1, 1], [], []>, transpose_lhs_hint = false} : vector<400x512xf32>, vector<512x128xf32>, vector<400x128xf32> -> vector<400x128xf32>
    %swap3A_21 = arith.constant 0 : index
    %swap3A_22 = arith.constant 0 : index
    %swap3A_23 = vector.load %arg7[%swap3A_21, %swap3A_22] : memref<400x128xf32, #tpu.memory_space<vmem>>, vector<400x128xf32>
    tpu.vector_store %arg7[%swap3A_21, %swap3A_22], %dot_general3A_20 {strides = array<i32>} : memref<400x128xf32, #tpu.memory_space<vmem>>, vector<400x128xf32>,
    return
  }
  func.func @transform_0(%arg0: i32) -> (i32, i32) {
    %c0_i32 = arith.constant 0 : i32
    %c0_i32_0 = arith.constant 0 : i32
    return %arg0, %c0_i32 : i32, i32
  }
  func.func @transform_1(%arg0: i32) -> (i32, i32) {
    %c0_i32 = arith.constant 0 : i32
    %c0_i32_0 = arith.constant 0 : i32
    %c0_i32_1 = arith.constant 0 : i32
    return %c0_i32, %c0_i32_0 : i32, i32
  }
  func.func @transform_2(%arg0: i32) -> (i32, i32) {
    %c0_i32 = arith.constant 0 : i32
    %c0_i32_0 = arith.constant 0 : i32
    %c0_i32_1 = arith.constant 0 : i32
    return %c0_i32, %c0_i32_0 : i32, i32
  }
  func.func @transform_3(%arg0: i32) -> (i32, i32) {
    %c0_i32 = arith.constant 0 : i32
    %c0_i32_0 = arith.constant 0 : i32
    %c0_i32_1 = arith.constant 0 : i32
    return %c0_i32, %c0_i32_0 : i32, i32
  }
  func.func @transform_4(%arg0: i32) -> (i32, i32) {
    %c0_i32 = arith.constant 0 : i32
    %c0_i32_0 = arith.constant 0 : i32
    return %arg0, %c0_i32 : i32, i32
  }
  func.func @transform_5(%arg0: i32) -> (i32, i32) {
    %c0_i32 = arith.constant 0 : i32
    %c0_i32_0 = arith.constant 0 : i32
    return %arg0, %c0_i32 : i32, i32
  }
  func.func @transform_6(%arg0: i32) -> (i32, i32) {
    %c0_i32 = arith.constant 0 : i32
    %c0_i32_0 = arith.constant 0 : i32
    return %arg0, %c0_i32 : i32, i32
  }
}

module attributes {stable_mosaic.version = 14 : i64} {
  func.func @_recip_kernel(%arg0: i32, %arg1: memref<400x128xf32, #tpu.memory_space<vmem>>, %arg2: memref<400x128xf32, #tpu.memory_space<vmem>>, %arg3: memref<400x128xf32, #tpu.memory_space<vmem>>) attributes {dimension_semantics = [#tpu.dimension_semantics<arbitrary>], iteration_bounds = array<i64: 25>, scalar_prefetch = 0 : i64, scratch_operands = 0 : i64, tpu.core_type = #tpu.core_type<tc>, window_params = [{transform_indices = @transform_0, window_bounds = array<i64: 400, 128>}, {transform_indices = @transform_1, window_bounds = array<i64: 400, 128>}, {transform_indices = @transform_2, window_bounds = array<i64: 400, 128>}]} {
    %get3A = arith.constant 0 : index
    %get3A_0 = arith.constant 0 : index
    %get3A_1 = vector.load %arg1[%get3A, %get3A_0] : memref<400x128xf32, #tpu.memory_space<vmem>>, vector<400x128xf32>
    %get3A_2 = arith.constant 0 : index
    %get3A_3 = arith.constant 0 : index
    %get3A_4 = vector.load %arg2[%get3A_2, %get3A_3] : memref<400x128xf32, #tpu.memory_space<vmem>>, vector<400x128xf32>
    %add3A = arith.addf %get3A_1, %get3A_4 : vector<400x128xf32>
    %mul3A = arith.constant 8.000000e+00 : f32
    %mul3A_5 = vector.broadcast %mul3A : f32 to vector<400x128xf32>
    %mul3A_6 = arith.mulf %mul3A_5, %add3A : vector<400x128xf32>
    %add3A_7 = arith.constant 8.000000e-16 : f32
    %add3A_8 = vector.broadcast %add3A_7 : f32 to vector<400x128xf32>
    %add3A_9 = arith.addf %mul3A_6, %add3A_8 : vector<400x128xf32>
    %div3A = arith.constant 1.000000e+00 : f32
    %div3A_10 = vector.broadcast %div3A : f32 to vector<400x128xf32>
    %div3A_11 = arith.divf %div3A_10, %add3A_9 : vector<400x128xf32>
    %swap3A = arith.constant 0 : index
    %swap3A_12 = arith.constant 0 : index
    %swap3A_13 = vector.load %arg3[%swap3A, %swap3A_12] : memref<400x128xf32, #tpu.memory_space<vmem>>, vector<400x128xf32>
    tpu.vector_store %arg3[%swap3A, %swap3A_12], %div3A_11 {strides = array<i32>} : memref<400x128xf32, #tpu.memory_space<vmem>>, vector<400x128xf32>,
    return
  }
  func.func @transform_0(%arg0: i32) -> (i32, i32) {
    %c0_i32 = arith.constant 0 : i32
    %c0_i32_0 = arith.constant 0 : i32
    return %arg0, %c0_i32 : i32, i32
  }
  func.func @transform_1(%arg0: i32) -> (i32, i32) {
    %c0_i32 = arith.constant 0 : i32
    %c0_i32_0 = arith.constant 0 : i32
    return %arg0, %c0_i32 : i32, i32
  }
  func.func @transform_2(%arg0: i32) -> (i32, i32) {
    %c0_i32 = arith.constant 0 : i32
    %c0_i32_0 = arith.constant 0 : i32
    return %arg0, %c0_i32 : i32, i32
  }
}

module attributes {stable_mosaic.version = 14 : i64} {
  func.func @_final_kernel(%arg0: i32, %arg1: memref<400x128xf32, #tpu.memory_space<vmem>>, %arg2: memref<400x128xf32, #tpu.memory_space<vmem>>, %arg3: memref<1x64xf32, #tpu.memory_space<vmem>>, %arg4: memref<400x64xf32, #tpu.memory_space<vmem>>) attributes {dimension_semantics = [#tpu.dimension_semantics<arbitrary>], iteration_bounds = array<i64: 25>, scalar_prefetch = 0 : i64, scratch_operands = 0 : i64, tpu.core_type = #tpu.core_type<tc>, window_params = [{transform_indices = @transform_0, window_bounds = array<i64: 400, 128>}, {transform_indices = @transform_1, window_bounds = array<i64: 400, 128>}, {pipeline_mode = #tpu.pipeline_mode<synchronous>, transform_indices = @transform_2, window_bounds = array<i64: 1, 64>}, {transform_indices = @transform_3, window_bounds = array<i64: 400, 64>}]} {
    %get3A = arith.constant 0 : index
    %get3A_0 = arith.constant 0 : index
    %get3A_1 = vector.load %arg1[%get3A, %get3A_0] : memref<400x128xf32, #tpu.memory_space<vmem>>, vector<400x128xf32>
    %get3A_2 = arith.constant 0 : index
    %get3A_3 = arith.constant 0 : index
    %get3A_4 = vector.load %arg2[%get3A_2, %get3A_3] : memref<400x128xf32, #tpu.memory_space<vmem>>, vector<400x128xf32>
    %add3A = arith.addf %get3A_1, %get3A_4 : vector<400x128xf32>
    %slice3A = vector.extract_strided_slice %add3A {offsets = [0, 0], sizes = [400, 64], strides = [1, 1]} : vector<400x128xf32> to vector<400x64xf32>
    %get3A_5 = arith.constant 0 : index
    %get3A_6 = arith.constant 0 : index
    %get3A_7 = vector.load %arg3[%get3A_5, %get3A_6] : memref<1x64xf32, #tpu.memory_space<vmem>>, vector<1x64xf32>
    %add3A_8 = vector.broadcast %get3A_7 : vector<1x64xf32> to vector<400x64xf32>
    %add3A_9 = arith.addf %slice3A, %add3A_8 : vector<400x64xf32>
    %max3A = arith.constant 0.000000e+00 : f32
    %max3A_10 = vector.broadcast %max3A : f32 to vector<400x64xf32>
    %max3A_11 = arith.maximumf %add3A_9, %max3A_10 : vector<400x64xf32>
    %swap3A = arith.constant 0 : index
    %swap3A_12 = arith.constant 0 : index
    %swap3A_13 = vector.load %arg4[%swap3A, %swap3A_12] : memref<400x64xf32, #tpu.memory_space<vmem>>, vector<400x64xf32>
    tpu.vector_store %arg4[%swap3A, %swap3A_12], %max3A_11 {strides = array<i32>} : memref<400x64xf32, #tpu.memory_space<vmem>>, vector<400x64xf32>,
    return
  }
  func.func @transform_0(%arg0: i32) -> (i32, i32) {
    %c0_i32 = arith.constant 0 : i32
    %c0_i32_0 = arith.constant 0 : i32
    return %arg0, %c0_i32 : i32, i32
  }
  func.func @transform_1(%arg0: i32) -> (i32, i32) {
    %c0_i32 = arith.constant 0 : i32
    %c0_i32_0 = arith.constant 0 : i32
    return %arg0, %c0_i32 : i32, i32
  }
  func.func @transform_2(%arg0: i32) -> (i32, i32) {
    %c0_i32 = arith.constant 0 : i32
    %c0_i32_0 = arith.constant 0 : i32
    %c0_i32_1 = arith.constant 0 : i32
    return %c0_i32, %c0_i32_0 : i32, i32
  }
  func.func @transform_3(%arg0: i32) -> (i32, i32) {
    %c0_i32 = arith.constant 0 : i32
    %c0_i32_0 = arith.constant 0 : i32
    return %arg0, %c0_i32 : i32, i32
  }
}

</mosaic_0001>

<sc_bundles>
// kernel: kernel.10.cloned.1.call-start
scs
__scs_entry_jumppad:
0x0: {  	(pc) =	sbr.rel $0x88, $3  }
0x1: {  	(tag) =	ssettag $0x0;
	lr =	simm.s32 $0x1  }
0x2: {  	[smem:$0x3F9B] =	sst lr;
	_ =	strace $0xD0000000  }
0x3: {  	_ = 	snop  }
0x4: {  	_ = 	snop  }
0x5: {  	_ = 	snop  }
0x6: {  	_ = 	snop  }
0x7: {  	_ = 	snop  }
__scs_overlays_trampoline_lowered:
0x8: {  	[smem:$0x3FAA] =	sst s0  }
0x9: {  	[smem:$0x3FAB] =	sst s1  }
0xa: {  	[smem:$0x3FAC] =	sst s2  }
0xb: {  	[smem:$0x3FAD] =	sst s3  }
0xc: {  	[smem:$0x3FAE] =	sst s4  }
0xd: {  	[smem:$0x3FAF] =	sst s5  }
0xe: {  	[smem:$0x3FB0] =	sst s6  }
0xf: {  	[smem:$0x3FB1] =	sst s7  }
0x10: {  	[smem:$0x3FB2] =	sst s8  }
0x11: {  	[smem:$0x3FB3] =	sst s9;
	s0 =	simm.s32 @!p0 $0x0  }
0x12: {  	s1 =	sld [smem:$0x3F99];
	s0 =	simm.s32 @p0 $0x1  }
0x13: {  	[smem:$0x3FB4] =	sst s0;
	s0 =	simm.s32 @!p1 $0x0  }
0x14: {  	s2 =	sld [smem:$0x3F98];
	s0 =	simm.s32 @p1 $0x1  }
0x15: {  	[smem:$0x3FB5] =	sst s0;
	s0 =	simm.s32 @!p2 $0x0  }
0x16: {  	s3 =	sld [smem:$0x3FDB];
	s0 =	simm.s32 @p2 $0x1  }
0x17: {  	s4 =	simm.s32 $0x1BF5;
	[smem:$0x3FB7] =	sst s0  }
0x18: {  	s0 =	sld [smem:$0x3F9A];
	_ =	swait.ge [sflag:s4], $0x0  }
0x19: {  	s7 =	sld [smem:$0x3F9B]  }
0x1a: {  	s8 =	sadd.s32 $0xFFFFE003, lr  }
0x1b: {  	s9 =	sadd.s32 $0xFFFFFEF7, lr;
	s5 =	simm.s32 $0xFFFFFFFF;
	p2 =	slt.u32 s8, $0xFFFFF086  }
0x1c: {  	p1 =	slt.u32 s9, $0xF7A;
	s5 =	simm.s32 @!p2 $0x0  }
0x1d: {  	s5 =	simm.s32 @p1 $0x1;
	p0 =	seq.s32 s7, s2  }
0x1e: {  	s7 =	smul.u32 @!p0 $0xF7A, s2;
	p2 =	seq.s32 @!p0 s5, $0x0  }
0x1f: {  	s9 =	smul.u32 $0xF7A, s1;
	s8 =	simm.s32 @!p0 $0x1BF5;
	p2 =	por !p2, p0  }
0x20: {  	[sflag:s8] =	ssyncset.s32 @!p0 $0xFFFFF086;
	s6 =	sadd.s32 @!p0 s3, s7;
	s7 =	simm.s32 @!p0 $0x108  }
0x21: {  	s3 =	sadd.s32 s3, s9;
	s6 =	sadd.s32 @!p0 $0x88, s6;
	s7 =	simm.s32 @p2 $0x1082  }
0x22: {  	[simem:s7], [sflag:s8] =	dma.local @!p0 [hbm:s6], $0xF7A  }
0x23: {  	s9 =	sor.u32 $0xD0000000, s2;
	s6 =	simm.s32 $0x108;
	_ =	swait.ge @!p0 [sflag:s8], $0x0  }
0x24: {  	s3 =	sadd.s32 $0x88, s3;
	s6 =	simm.s32 @!p1 $0x1082;
	[sflag:s4] =	ssyncset.s32 $0xFFFFF086  }
0x25: {  	[simem:s6], [sflag:s4] =	dma.local [hbm:s3], $0xF7A  }
0x26: {  	[smem:$0x3F9B] =	sst s1;
	(tag) =	ssettag s2;
	_ =	strace s9  }
0x27: {  	s1 =	sld [smem:$0x3FAB]  }
0x28: {  	s2 =	sld [smem:$0x3FAC]  }
0x29: {  	s4 =	sld [smem:$0x3FAE]  }
0x2a: {  	p0 =	seq.s32 s5, $0x0;
	s5 =	sld [smem:$0x3FAF]  }
0x2b: {  	s6 =	sld [smem:$0x3FB0]  }
0x2c: {  	s7 =	sld [smem:$0x3FB1]  }
0x2d: {  	s3 =	simm.s32 $0x108;
	s8 =	sld [smem:$0x3FB2]  }
0x2e: {  	s3 =	simm.s32 @!p0 $0x1082;
	s9 =	sld [smem:$0x3FB3]  }
0x2f: {  	lr =	sadd.s32 s0, s3;
	s0 =	sld [smem:$0x3FAA]  }
0x30: {  	s3 =	sld [smem:$0x3FAD]  }
0x31: {  	[smem:$0x3FB6] =	sst s10  }
0x32: {  	s10 =	sld [smem:$0x3FB4];
	_ =	sdelay $0x3  }
0x33: {  	p0 =	seq.s32 s10, $0x1;
	s10 =	sld [smem:$0x3FB6];
	_ =	sdelay $0x3  }
0x34: {  	[smem:$0x3FB6] =	sst s10  }
0x35: {  	s10 =	sld [smem:$0x3FB5];
	_ =	sdelay $0x3  }
0x36: {  	p1 =	seq.s32 s10, $0x1;
	s10 =	sld [smem:$0x3FB6];
	_ =	sdelay $0x3  }
0x37: {  	[smem:$0x3FB6] =	sst s10  }
0x38: {  	s10 =	sld [smem:$0x3FB7]  }
0x39: {  	_ = 	snop;
	(pc) =	sbr.ind lr, $3  }
0x3a: {  	_ = 	snop  }
0x3b: {  	_ = 	snop  }
0x3c: {  	p2 =	seq.s32 s10, $0x1;
	s10 =	sld [smem:$0x3FB6]  }
0x3d: {  	_ =	shalt  }
0x3e: {  	_ =	shalt  }
0x3f: {  	_ =	shalt  }
0x40: {  	_ =	shalt  }
0x41: {  	_ =	shalt  }
0x42: {  	_ =	shalt  }
0x43: {  	_ =	shalt  }
0x44: {  	_ =	shalt  }
0x45: {  	_ =	shalt  }
0x46: {  	_ =	shalt  }
0x47: {  	_ =	shalt  }
0x48: {  	_ =	shalt  }
0x49: {  	_ =	shalt  }
0x4a: {  	_ =	shalt  }
0x4b: {  	_ =	shalt  }
0x4c: {  	_ =	shalt  }
0x4d: {  	_ =	shalt  }
0x4e: {  	_ =	shalt  }
0x4f: {  	_ =	shalt  }
0x50: {  	_ =	shalt  }
0x51: {  	_ =	shalt  }
0x52: {  	_ =	shalt  }
0x53: {  	_ =	shalt  }
0x54: {  	_ =	shalt  }
0x55: {  	_ =	shalt  }
0x56: {  	_ =	shalt  }
0x57: {  	_ =	shalt  }
0x58: {  	_ =	shalt  }
0x59: {  	_ =	shalt  }
0x5a: {  	_ =	shalt  }
0x5b: {  	_ =	shalt  }
0x5c: {  	_ =	shalt  }
0x5d: {  	_ =	shalt  }
0x5e: {  	_ =	shalt  }
0x5f: {  	_ =	shalt  }
0x60: {  	_ =	shalt  }
0x61: {  	_ =	shalt  }
0x62: {  	_ =	shalt  }
0x63: {  	_ =	shalt  }
0x64: {  	_ =	shalt  }
0x65: {  	_ =	shalt  }
0x66: {  	_ =	shalt  }
0x67: {  	_ =	shalt  }
0x68: {  	_ =	shalt  }
0x69: {  	_ =	shalt  }
0x6a: {  	_ =	shalt  }
0x6b: {  	_ =	shalt  }
0x6c: {  	_ =	shalt  }
0x6d: {  	_ =	shalt  }
0x6e: {  	_ =	shalt  }
0x6f: {  	_ =	shalt  }
0x70: {  	_ =	shalt  }
0x71: {  	_ =	shalt  }
0x72: {  	_ =	shalt  }
0x73: {  	_ =	shalt  }
0x74: {  	_ =	shalt  }
0x75: {  	_ =	shalt  }
0x76: {  	_ =	shalt  }
0x77: {  	_ =	shalt  }
0x78: {  	_ =	shalt  }
0x79: {  	_ =	shalt  }
0x7a: {  	_ =	shalt  }
0x7b: {  	_ =	shalt  }
0x7c: {  	_ =	shalt  }
0x7d: {  	_ =	shalt  }
0x7e: {  	_ =	shalt  }
0x7f: {  	_ =	shalt  }
0x80: {  	_ =	shalt  }
0x81: {  	_ =	shalt  }
0x82: {  	_ =	shalt  }
0x83: {  	_ =	shalt  }
0x84: {  	_ =	shalt  }
0x85: {  	_ =	shalt  }
0x86: {  	_ =	shalt  }
0x87: {  	_ =	shalt  }
.Lfunc_end0:
.L_simem_size_0:
called_computation.1_lowered:
.L_overlay_start_0:
0x88: {  	s2 =	sld [smem:$0x3FD9]  }
0x89: {  	s3 =	sld [smem:$0x3FFE];
	_ =	sdelay $0x1  }
0x8a: {  	s1 =	srdreg.scid  }
0x8b: {  	s0 =	sand.u32 $0x1, s1  }
0x8c: {  	s17 =	sshll.u32 s0, $0xA;
	s2 =	sadd.s32 s3, s2  }
0x8d: {  	s2 =	sadd.s32 s2, s17  }
0x8e: {  	[smem:$0x3FC2] =	sst s2  }
0x8f: {  	_ = 	snop  }
0x90: {  	s2 =	sld [smem:$0x3FD0];
	(tm) =	ssettm $0x1  }
0x91: {  	s18 =	sld [smem:$0x3FFB];
	_ =	sdelay $0x3  }
0x92: {  	_ =	strace s18  }
0x93: {  	s3 =	sld [smem:$0x3FFC];
	_ =	sdelay $0x3  }
0x94: {  	_ =	strace s3  }
0x95: {  	s3 =	sld [smem:$0x3FFD];
	_ =	sdelay $0x3  }
0x96: {  	_ =	strace s3  }
0x97: {  	_ =	strace $0x8FFFFFFF  }
0x98: {  	s19 =	sld [smem:$0x3FDB];
	_ =	sdelay $0x1  }
0x99: {  	s4 =	simm.s32 $_scs_section_size  }
0x9a: {  	s5 =	simm.s32 $_size__tile_overlayer_lowered;
	s6 =	simm.s32 $_tile_overlayer_lowered  }
0x9b: {  	s22 =	simm.s32 $0x1BFF;
	s21 =	sshll.u32 s6, $0x1;
	s3 =	sadd.s32 s4, s19  }
0x9c: {  	s7 =	simm.s32 $0x0;
	s20 =	sshll.u32 s5, $0x1;
	s5 =	sadd.s32 s21, s3  }
0x9d: {  	[timem:s7], [sflag:s22] =	dma.local [hbm:s5], s20  }
0x9e: {  	_ =	swait.ge [sflag:s22], s20  }
0x9f: {  	s4 =	ssub.s32 $0x0, s20;
	[sflag:s22] =	ssyncset.done $0x0  }
0xa0: {  	[sflag:s22] =	ssyncadd.s32 s4;
	_ =	sdelay $0x1  }
0xa1: {  	s23 =	simm.s32 $0x1B8B  }
0xa2: {  	_ =	swait.ge [sflag:s23], $0x1  }
0xa3: {  	[sflag:s23] =	ssyncset.done $0x0  }
0xa4: {  	s25 =	simm.s32 $0x1B8E;
	s24 =	sld [smem:$0x3FFE];
	[sflag:s23] =	ssyncadd.s32 $0xFFFFFFFF  }
0xa5: {  	s26 =	simm.s32 $execute0_lowered;
	[smem:$0x3FD2] =	sst s25  }
0xa6: {  	s5 =	sshll.u32 s26, $0x1;
	_ =	strace $0x80000049;
	[dreg:$0x1] =	wrdreg $0xFFFFFFFF  }
0xa7: {  	s28 =	simm.s32 $_size_execute0_lowered;
	s3 =	sadd.s32 s3, s5;
	[dreg:$0x0] =	wrdreg $0x0  }
0xa8: {  	s5 =	sshll.u32 s28, $0x1;
	[dreg:$0x2] =	wrdreg s3  }
0xa9: {  	[dreg:$0x3] =	wrdreg s5  }
0xaa: {  	[dreg:$0x4] =	wrdreg $0xC0  }
0xab: {  	_ =	task [dreg:s7], $0x5FFFF  }
0xac: {  	[dreg:$0x1] =	wrdreg $0xFFFFFFFF  }
0xad: {  	[dreg:$0x0] =	wrdreg $0x60  }
0xae: {  	[dreg:$0x2] =	wrdreg s24  }
0xaf: {  	[dreg:$0x3] =	wrdreg s2  }
0xb0: {  	[dreg:$0x4] =	wrdreg $0x8D000  }
0xb1: {  	[dreg:$0x5] =	wrdreg $0x9  }
0xb2: {  	_ =	task.clear_ibuf [dreg:s7], $0x6FFFF;
	_ =	strace $0x90000049  }
0xb3: {  	s29 =	simm.s32 $0x9;
	_ =	strace $0x8000004B  }
0xb4: {  	_ =	swait.ge [sflag:s29], $0x1  }
0xb5: {  	[sflag:s29] =	ssyncadd.s32 $0xFFFFFFFF  }
0xb6: {  	_ =	strace $0x9000004B  }
0xb7: {  	_ =	sfence  }
0xb8: {  	s30 =	sld [smem:$0x0];
	_ =	sdelay $0x2  }
0xb9: {  	s31 =	sshll.u32 s1, $0xD;
	s1 =	sshrl.u32 s1, $0x2  }
0xba: {  	s3 =	sand.u32 $0x4000, s31;
	s1 =	sadd.s32 s1, s30  }
0xbb: {  	s0 =	sor.u32 s3, s0;
	s1 =	sshll.u32 s1, $0x11  }
0xbc: {  	s0 =	sor.u32 s1, s0  }
0xbd: {  	s0 =	sadd.s32 $0x8F2B, s0  }
0xbe: {  	[sflag:s0] =	ssyncadd.remote.s32 $0x1  }
0xbf: {  	_ =	sfence.sel $0xFFFF  }
0xc0: {  	[dreg:$0x0] =	wrdreg $0xFFFFFFFF;
	(pc) =	sbr.abs _section_cstart, $3  }
0xc1: {  	[dreg:$0x1] =	wrdreg $0xFFFFFFFF  }
0xc2: {  	_ =	task.clear_ibuf [dreg:s7], $0x2FFFF;
	_ =	strace $0x9FFFFFFF  }
0xc3: {  	(tm) =	ssettm $0x7FFFFFFF  }
tec
execute0_lowered:
.L_overlay_start_1:
0x0: {  	(tag) =	ssettag $0x1  }
0x1: {  	s0 =	rddreg [dreg:$0x0]  }
0x2: {  	s2 =	rddreg [dreg:$0x2];
	s1 =	srdreg.scid;
	s14 =	simm.s32 $0x0  }
0x3: {  	s13 =	stileid.u32;
	s16 =	simm.s32 $0x3;
	s17 =	simm.s32 $0x80  }
0x4: {  	s19 =	simm.s32 $0x900;
	s20 =	simm.s32 $0x1100;
	s21 =	simm.s32 $0x1900  }
0x5: {  	s22 =	simm.s32 $0x2100;
	s28 =	simm.s32 $0x4900;
	s29 =	simm.s32 $0x28  }
0x6: {  	s30 =	simm.s32 $0x6500;
	s31 =	simm.s32 $0x5100;
	s4 =	smul.u32 $0x1F400, s13  }
0x7: {  	s1 =	sand.u32 $0x1, s1;
	s8 =	smul.u32 $0x3E80, s13;
	s6 =	sadd.s32 $0x175E00, s0  }
0x8: {  	[smem:$0x7FF] =	sst s14;
	s7 =	sadd.s32 $0x127C00, s0;
	s9 =	smul.u32 $0x7D000, s13  }
0x9: {  	s5 =	sadd.s32 $0x16200, s0;
	p0 =	sgt.u32 s13, $0x9;
	s3 =	smul.u32 $0x138800, s1  }
0xa: {  	_ =	strace $0x8000004A;
	s10 =	ssub.s32 $0x2, s1;
	s1 =	sshll.u32 s1, $0x4  }
0xb: {  	s23 =	sadd.s32 s8, s0;
	s8 =	sadd.s32 $0x2800, s0;
	s11 =	sshrl.u32 s10, $0x1  }
0xc: {  	s9 =	sshrl.u32 s9, $0x2;
	s1 =	sor.u32 s13, s1;
	s3 =	sadd.s32 s4, s3  }
0xd: {  	s12 =	ssub.s32 s10, s11;
	s9 =	sadd.s32 s9, s2;
	s24 =	sadd.s32 $0x100A00, s23  }
0xe: {  	s10 =	smul.u32 $0x4E20, s1;
	s11 =	sadd.s32 $0x16300, s0;
	s23 =	simm.s32 $0x2900  }
0xf: {  	s3 =	sshrl.u32 s3, $0x3;
	[dreg:$0x5] =	wrdreg s24;
	s26 =	smax.u32 s12, $0x1  }
0x10: {  	s12 =	sshrl.u32 @!p0 s9, $0x3;
	s24 =	simm.s32 $0x3100;
	s9 =	simm.s32 $0x7900  }
0x11: {  	s3 =	sadd.s32 s3, s0;
	s0 =	sshll.u32 @!p0 s13, $0x6;
	[dreg:$0x7] =	wrdreg s26  }
0x12: {  	v3 =	vlaneseq.u32;
	s26 =	simm.s32 $0x4100;
	[dreg:$0x9] =	wrdreg s12;
	s25 =	sadd.s32 $0xB2600, s3  }
0x13: {  	v0 =	vimm.f32 $0.0e+00;
	vm0 =	vmmov $0xffff;
	v2 =	vshrl.u32 v3, $0x3;
	s4 =	sor.u32 @!p0 $0x1C03, s0;
	s0 =	simm.s32 $0x2;
	[dreg:$0x6] =	wrdreg s25  }
0x14: {  	v1 =	vand.u32 $0x7, v3;
	v3 =	vor.u32 $0x8, v3;
	v2 =	vmul.u32 $0x8, v2;
	s3 =	simm.s32 $0x1;
	s25 =	simm.s32 $0x3900;
	[dreg:$0x8] =	wrdreg s4  }
.LBB2_1:
0x15: {  	[dreg:$0x4] =	wrdreg s14  }
0x16: {  	s1 =	rddreg [dreg:$0x5]  }
0x17: {  	[spmem:s12], [sflag:s4] =	dma.local @!p0 [hbm:s1], $0x3E80  }
0x18: {  	s1 =	simm.s32 @!p0 $0x3  }
0x19: {  	_ =	swait.ge @!p0 [sflag:s1], $0x3E80  }
0x1a: {  	[sflag:s1] =	ssyncset.done @!p0 $0x0  }
0x1b: {  	s4 =	simm.s32 $0x200;
	[sflag:s1] =	ssyncadd.s32 @!p0 $0xFFFFC180;
	s1 =	simm.s32 $0x0  }
.LBB2_2:
0x1c: {  	p1 =	sne.s32 s4, $0x4E00;
	[tilespmem:s1+$0x7970] =	vst v0  }
0x1d: {  	[tilespmem:s1+$0x7900] =	vst v0  }
0x1e: {  	[tilespmem:s1+$0x7910] =	vst v0  }
.Ltmp0:
0x1f: {  	[tilespmem:s1+$0x7920] =	vst v0;
	(pc) =	sbr.rel @p1 .LBB2_2-.Ltmp0, $4  }
0x20: {  	[tilespmem:s1+$0x7930] =	vst v0  }
0x21: {  	[tilespmem:s1+$0x7940] =	vst v0  }
0x22: {  	[tilespmem:s1+$0x7950] =	vst v0  }
0x23: {  	[tilespmem:s1+$0x7960] =	vst v0;
	s1 =	sshra.s32 s4, $0x2;
	s4 =	sadd.s32 $0x200, s4  }
0x24: {  	[tilespmem:s1+$0x7970] =	vst v0  }
0x25: {  	[tilespmem:s1+$0x7900] =	vst v0  }
0x26: {  	[tilespmem:s1+$0x7910] =	vst v0  }
0x27: {  	[tilespmem:s1+$0x7920] =	vst v0  }
0x28: {  	[tilespmem:s1+$0x7930] =	vst v0  }
0x29: {  	[tilespmem:s1+$0x7940] =	vst v0  }
0x2a: {  	[tilespmem:s1+$0x7950] =	vst v0  }
0x2b: {  	[tilespmem:s1+$0x7960] =	vst v0  }
0x2c: {  	s12 =	simm.s32 $0x0;
	s13 =	simm.s32 $0x0;
	[bflag:$0x0] =	sbarrier.arrive $0xFFFF  }
.LBB2_4:
0x2d: {  	s1 =	smul.u32 $0x28, s13;
	_ =	sdelay $0x1  }
0x2e: {  	s1 =	sadd.s32 s10, s1  }
0x2f: {  	s4 =	sshrl.u32 s1, $0x3  }
0x30: {  	s14 =	sadd.s32 s8, s4  }
0x31: {  	[tilespmem:s12], [sflag:$0x3] =	stream.linear.gather [hbm4b:s14+s12], $0x28, $0x38;
	[tilespmem:$0x1C580] =	vst v63  }
0x32: {  	_ =	swait.ge [sflag:s16], $0x28  }
0x33: {  	[sflag:s16] =	ssyncset.done $0x0  }
0x34: {  	[sflag:s16] =	ssyncadd.s32 $0xFFFFFFD8  }
0x35: {  	s2 =	rddreg [dreg:$0x1]  }
0x36: {  	s4 =	sadd.s32 s2, s4  }
0x37: {  	[tilespmem:s17], [sflag:$0x3] =	stream.linear.gather [hbm4b:s4+s12], $0x28, $0x38;
	[tilespmem:$0x1C580] =	vst v63  }
0x38: {  	_ =	swait.ge [sflag:s16], $0x28  }
0x39: {  	[sflag:s16] =	ssyncset.done $0x0  }
0x3a: {  	[sflag:s16] =	ssyncadd.s32 $0xFFFFFFD8  }
0x3b: {  	v4 =	vld [tilespmem:$0x0];
	_ =	sdelay $0x4  }
0x3c: {  	v5 =	vshll.u32 v4, $0x2  }
0x3d: {  	v4 =	vand.u32 $0x7, v4;
	v5 =	vand.u32 $0xFFFFFFE0, v5  }
0x3e: {  	v4 =	vor.u32 v4, v5  }
0x3f: {  	v5 =	vperm.xlane v4, v1;
	_ =	sdelay $0x1  }
0x40: {  	v5 =	vadd.s32 v2, v5;
	_ =	sdelay $0x1  }
0x41: {  	v4 =	vperm.xlane v4, v3;
	_ =	sdelay $0x1  }
0x42: {  	s14 =	simm.s32 $0x100;
	v4 =	vadd.s32 v2, v4  }
0x43: {  	[tilespmem:s14], [sflag:$0x1] =	stream.indirect_vreg.gather [hbm4b:s5+s12], $0x80, v5, vm0, $0xb8;
	[tilespmem:$0x1C580] =	vst v63  }
0x44: {  	_ = 	snop  }
0x45: {  	[tilespmem:s19], [sflag:$0x1] =	stream.indirect_vreg.gather [hbm4b:s11+s12], $0x80, v5, vm0, $0xb8;
	[tilespmem:$0x1C580] =	vst v63  }
0x46: {  	_ = 	snop  }
0x47: {  	[tilespmem:s20], [sflag:$0x1] =	stream.indirect_vreg.gather [hbm4b:s5+s12], $0x80, v4, vm0, $0xb8;
	[tilespmem:$0x1C580] =	vst v63  }
0x48: {  	_ = 	snop  }
0x49: {  	[tilespmem:s21], [sflag:$0x1] =	stream.indirect_vreg.gather [hbm4b:s11+s12], $0x80, v4, vm0, $0xb8;
	[tilespmem:$0x1C580] =	vst v63  }
0x4a: {  	v4 =	vld [tilespmem:$0x10];
	_ =	sdelay $0x4  }
0x4b: {  	v5 =	vshll.u32 v4, $0x2  }
0x4c: {  	v4 =	vand.u32 $0x7, v4;
	v5 =	vand.u32 $0xFFFFFFE0, v5  }
0x4d: {  	v4 =	vor.u32 v4, v5  }
0x4e: {  	v5 =	vperm.xlane v4, v1;
	_ =	sdelay $0x1  }
0x4f: {  	v5 =	vadd.s32 v2, v5;
	_ =	sdelay $0x1  }
0x50: {  	v4 =	vperm.xlane v4, v3;
	_ =	sdelay $0x1  }
0x51: {  	v4 =	vadd.s32 v2, v4  }
0x52: {  	[tilespmem:s22], [sflag:$0x1] =	stream.indirect_vreg.gather [hbm4b:s5+s12], $0x80, v5, vm0, $0xb8;
	[tilespmem:$0x1C580] =	vst v63  }
0x53: {  	_ = 	snop  }
0x54: {  	[tilespmem:s23], [sflag:$0x1] =	stream.indirect_vreg.gather [hbm4b:s11+s12], $0x80, v5, vm0, $0xb8;
	[tilespmem:$0x1C580] =	vst v63  }
0x55: {  	_ = 	snop  }
0x56: {  	[tilespmem:s24], [sflag:$0x1] =	stream.indirect_vreg.gather [hbm4b:s5+s12], $0x80, v4, vm0, $0xb8;
	[tilespmem:$0x1C580] =	vst v63  }
0x57: {  	_ = 	snop  }
0x58: {  	[tilespmem:s25], [sflag:$0x1] =	stream.indirect_vreg.gather [hbm4b:s11+s12], $0x80, v4, vm0, $0xb8;
	[tilespmem:$0x1C580] =	vst v63  }
0x59: {  	v4 =	vld.msk [tilespmem:$0x20], $0xff;
	_ =	sdelay $0x4  }
0x5a: {  	v5 =	vshll.u32 v4, $0x2  }
0x5b: {  	v4 =	vand.u32 $0x7, v4;
	v5 =	vand.u32 $0xFFFFFFE0, v5  }
0x5c: {  	v4 =	vor.u32 v4, v5  }
0x5d: {  	v4 =	vperm.xlane v4, v1;
	_ =	sdelay $0x1  }
0x5e: {  	v4 =	vadd.s32 v2, v4;
	_ =	sdelay $0x4  }
0x5f: {  	[tilespmem:s26], [sflag:$0x1] =	stream.indirect_vreg.gather [hbm4b:s5+s12], $0x80, v4, vm0, $0xb8;
	[tilespmem:$0x1C580] =	vst v63  }
0x60: {  	_ = 	snop  }
0x61: {  	[tilespmem:s28], [sflag:$0x1] =	stream.indirect_vreg.gather [hbm4b:s11+s12], $0x80, v4, vm0, $0xb8;
	[tilespmem:$0x1C580] =	vst v63  }
0x62: {  	s1 =	sshll.u32 s1, $0x4  }
0x63: {  	[tilespmem:s30], [sflag:$0x2] =	stream.indirect.gather [hbm4b:s7+s29], $0x80, s17, s29, $0xb8;
	[tilespmem:$0x1C580] =	vst v63  }
0x64: {  	s1 =	sadd.s32 s6, s1  }
0x65: {  	[tilespmem:s31], [sflag:$0x3] =	stream.linear.gather [hbm4b:s1+s12], $0x1400, $0x38;
	[tilespmem:$0x1C580] =	vst v63  }
0x66: {  	_ =	swait.ge [sflag:s16], $0x1400  }
0x67: {  	[sflag:s16] =	ssyncset.done $0x0  }
0x68: {  	[sflag:s16] =	ssyncadd.s32 $0xFFFFEC00  }
0x69: {  	_ =	swait.ge [sflag:s0], $0x1400  }
0x6a: {  	[sflag:s0] =	ssyncset.done $0x0  }
0x6b: {  	[sflag:s0] =	ssyncadd.s32 $0xFFFFEC00  }
0x6c: {  	_ =	swait.ge [sflag:s3], $0x5000  }
0x6d: {  	[sflag:s3] =	ssyncset.done $0x0  }
0x6e: {  	s14 =	simm.s32 $0x0;
	[sflag:s3] =	ssyncadd.s32 $0xFFFFB000  }
0x6f: {  	s15 =	sand.u32 $0x7000, s12;
	s18 =	sand.u32 $0x380, s12;
	v4 =	vld [tilespmem:s14+$0x5100]  }
0x70: {  	s15 =	sor.u32 s18, s15;
	v5 =	vld [tilespmem:s14+$0x6500]  }
0x71: {  	v8 =	vld [tilespmem:s15+$0x910]  }
0x72: {  	v9 =	vld [tilespmem:s15+$0xD30]  }
0x73: {  	v11 =	vld [tilespmem:s15+$0x550]  }
0x74: {  	v13 =	vld [tilespmem:s15+$0x970]  }
0x75: {  	v16 =	vld [tilespmem:s15+$0x930]  }
0x76: {  	v15 =	vld [tilespmem:s15+$0x570]  }
0x77: {  	v20 =	vld [tilespmem:s15+$0x900]  }
0x78: {  	v26 =	vld [tilespmem:s15+$0x560]  }
0x79: {  	v12 =	vld [tilespmem:s15+$0x520]  }
0x7a: {  	v14 =	vld [tilespmem:s15+$0x510];
	v10 =	vmul.f32 v5, v4  }
0x7b: {  	v17 =	vld [tilespmem:s15+$0x130]  }
0x7c: {  	v18 =	vld [tilespmem:s15+$0x160];
	v24 =	vbroadcast v10, $0x1;
	v7 =	vbroadcast v10, $0x4  }
0x7d: {  	v19 =	vld [tilespmem:s15+$0x140];
	v21 =	vbroadcast v10, $0x2;
	v4 =	vbroadcast v10, $0x7  }
0x7e: {  	v29 =	vld [tilespmem:s15+$0x500];
	v6 =	vbroadcast v10, $0x5;
	v5 =	vbroadcast v10, $0x6  }
0x7f: {  	v32 =	vld [tilespmem:s15+$0x170];
	v23 =	vbroadcast v10, $0x0;
	v10 =	vbroadcast v10, $0x3  }
0x80: {  	v31 =	vld [tilespmem:s15+$0x150];
	v14 =	vmul.f32 v14, v21;
	v12 =	vmul.f32 v12, v21  }
0x81: {  	v30 =	vld [tilespmem:s15+$0x110];
	v25 =	vmul.f32 v17, v23;
	v22 =	vmul.f32 v18, v24  }
0x82: {  	v27 =	vld [tilespmem:s15+$0x530];
	v19 =	vmul.f32 v19, v24;
	v18 =	vmul.f32 v15, v10  }
0x83: {  	v28 =	vld [tilespmem:s15+$0x120];
	v17 =	vmul.f32 v29, v21;
	v15 =	vmul.f32 v26, v10  }
0x84: {  	s4 =	simm.s32 $0x80;
	s1 =	simm.s32 $0x0;
	v29 =	vld [tilespmem:s15+$0x100];
	v26 =	vmul.f32 v32, v24;
	v16 =	vmul.f32 v16, v7  }
.LBB2_5:
0x85: {  	p1 =	sne.s32 s4, $0x1380  }
0x86: {  	v24 =	vmul.f32 v31, v24;
	v20 =	vmul.f32 v20, v7;
	v31 =	vld [tilespmem:s15+$0xD70];
	s1 =	sadd.s32 $0x200, s1;
	s2 =	smov.u32 s4;
	s4 =	sadd.s32 $0x80, s4  }
0x87: {  	v13 =	vmul.f32 v13, v6;
	v30 =	vmul.f32 v30, v23;
	v32 =	vld [tilespmem:s15+$0x950]  }
0x88: {  	v25 =	vadd.f32 $0.0e+00, v25;
	v11 =	vmul.f32 v11, v10;
	v21 =	vmul.f32 v27, v21;
	v27 =	vld [tilespmem:s15+$0x960]  }
0x89: {  	v9 =	vmul.f32 v9, v5;
	v28 =	vmul.f32 v28, v23;
	v33 =	vld [tilespmem:s15+$0xD10]  }
0x8a: {  	v8 =	vmul.f32 v8, v7;
	v23 =	vmul.f32 v23, v29;
	v29 =	vadd.f32 $0.0e+00, v30;
	v30 =	vld [tilespmem:s15+$0x920]  }
0x8b: {  	v25 =	vadd.f32 v26, v25;
	v28 =	vadd.f32 $0.0e+00, v28;
	v26 =	vld [tilespmem:s15+$0x540];
	v31 =	vmul.f32 v31, v4  }
0x8c: {  	v23 =	vadd.f32 $0.0e+00, v23;
	v24 =	vadd.f32 v24, v29;
	v29 =	vmul.f32 v32, v6  }
0x8d: {  	v21 =	vadd.f32 v21, v25;
	v22 =	vadd.f32 v22, v28;
	v25 =	vmul.f32 v27, v6  }
0x8e: {  	v19 =	vadd.f32 v19, v23;
	v14 =	vadd.f32 v14, v24;
	v23 =	vmul.f32 v33, v5;
	v24 =	vld [tilespmem:s15+$0xD50]  }
0x8f: {  	v18 =	vadd.f32 v18, v21;
	v12 =	vadd.f32 v12, v22;
	v7 =	vmul.f32 v30, v7;
	v21 =	vld [tilespmem:s15+$0x940]  }
0x90: {  	v17 =	vadd.f32 v17, v19;
	v10 =	vmul.f32 v26, v10;
	v11 =	vadd.f32 v11, v14;
	v14 =	vld [tilespmem:s15+$0xD20]  }
0x91: {  	v12 =	vadd.f32 v15, v12;
	v15 =	vadd.f32 v16, v18;
	v16 =	vld [tilespmem:s15+$0xD00]  }
0x92: {  	v10 =	vadd.f32 v10, v17;
	v8 =	vadd.f32 v8, v11;
	v11 =	vld [tilespmem:s15+$0xD60]  }
0x93: {  	s18 =	sand.u32 $0x7000, s1;
	s2 =	sand.u32 $0x380, s2;
	v7 =	vadd.f32 v7, v12;
	v12 =	vadd.f32 v13, v15;
	v13 =	vld [tilespmem:s15+$0xD40];
	v15 =	vmul.f32 v24, v4  }
0x94: {  	s15 =	sor.u32 s2, s18;
	v10 =	vadd.f32 v20, v10;
	v6 =	vmul.f32 v21, v6;
	v8 =	vadd.f32 v29, v8  }
0x95: {  	s2 =	sshra.s32 s1, $0x2;
	v7 =	vadd.f32 v25, v7;
	v14 =	vmul.f32 v14, v5;
	v9 =	vadd.f32 v9, v12  }
0x96: {  	v12 =	vld [tilespmem:s2+$0x5100];
	v6 =	vadd.f32 v6, v10;
	v5 =	vmul.f32 v16, v5;
	v8 =	vadd.f32 v23, v8  }
0x97: {  	v7 =	vadd.f32 v14, v7;
	v10 =	vmul.f32 v11, v4;
	v9 =	vadd.f32 v31, v9  }
0x98: {  	v14 =	vld [tilespmem:s2+$0x6500];
	v5 =	vadd.f32 v5, v6;
	v4 =	vmul.f32 v13, v4;
	v6 =	vadd.f32 v15, v8  }
0x99: {  	v7 =	vadd.f32 v10, v7;
	[tilespmem:s14+$0x7930] =	vst v9  }
0x9a: {  	v4 =	vadd.f32 v4, v5;
	[tilespmem:s14+$0x7910] =	vst v6  }
0x9b: {  	[tilespmem:s14+$0x7920] =	vst v7  }
0x9c: {  	[tilespmem:s14+$0x7900] =	vst v4;
	s14 =	smov.u32 s2  }
0x9d: {  	v8 =	vld [tilespmem:s15+$0x910]  }
0x9e: {  	v9 =	vld [tilespmem:s15+$0xD30]  }
0x9f: {  	v11 =	vld [tilespmem:s15+$0x550]  }
0xa0: {  	v13 =	vld [tilespmem:s15+$0x970]  }
0xa1: {  	v16 =	vld [tilespmem:s15+$0x930]  }
0xa2: {  	v15 =	vld [tilespmem:s15+$0x570]  }
0xa3: {  	v10 =	vmul.f32 v14, v12;
	v20 =	vld [tilespmem:s15+$0x900]  }
0xa4: {  	v26 =	vld [tilespmem:s15+$0x560]  }
0xa5: {  	v24 =	vbroadcast v10, $0x1;
	v7 =	vbroadcast v10, $0x4;
	v12 =	vld [tilespmem:s15+$0x520]  }
0xa6: {  	v21 =	vbroadcast v10, $0x2;
	v4 =	vbroadcast v10, $0x7;
	v14 =	vld [tilespmem:s15+$0x510]  }
0xa7: {  	v6 =	vbroadcast v10, $0x5;
	v17 =	vld [tilespmem:s15+$0x130]  }
0xa8: {  	v5 =	vbroadcast v10, $0x6;
	v18 =	vld [tilespmem:s15+$0x160]  }
0xa9: {  	v23 =	vbroadcast v10, $0x0;
	v19 =	vld [tilespmem:s15+$0x140]  }
0xaa: {  	v10 =	vbroadcast v10, $0x3;
	v29 =	vld [tilespmem:s15+$0x500]  }
0xab: {  	v12 =	vmul.f32 v12, v21;
	v32 =	vld [tilespmem:s15+$0x170];
	v14 =	vmul.f32 v14, v21  }
.Ltmp1:
0xac: {  	v25 =	vmul.f32 v17, v23;
	v31 =	vld [tilespmem:s15+$0x150];
	(pc) =	sbr.rel @p1 .LBB2_5-.Ltmp1, $4  }
0xad: {  	v30 =	vld [tilespmem:s15+$0x110];
	v22 =	vmul.f32 v18, v24  }
0xae: {  	v18 =	vmul.f32 v15, v10;
	v19 =	vmul.f32 v19, v24;
	v27 =	vld [tilespmem:s15+$0x530]  }
0xaf: {  	v15 =	vmul.f32 v26, v10;
	v28 =	vld [tilespmem:s15+$0x120];
	v17 =	vmul.f32 v29, v21  }
0xb0: {  	v16 =	vmul.f32 v16, v7;
	v29 =	vld [tilespmem:s15+$0x100];
	v26 =	vmul.f32 v32, v24  }
0xb1: {  	_ = 	snop  }
0xb2: {  	v24 =	vmul.f32 v31, v24;
	v20 =	vmul.f32 v20, v7  }
0xb3: {  	v39 =	vld [tilespmem:s15+$0xD70];
	v13 =	vmul.f32 v13, v6;
	v30 =	vmul.f32 v30, v23  }
0xb4: {  	v32 =	vld [tilespmem:s15+$0x950];
	v25 =	vadd.f32 $0.0e+00, v25;
	v11 =	vmul.f32 v11, v10;
	v40 =	vmul.f32 v28, v23  }
0xb5: {  	v41 =	vld [tilespmem:s15+$0x960];
	v9 =	vmul.f32 v9, v5;
	v43 =	vadd.f32 $0.0e+00, v30;
	v42 =	vmul.f32 v23, v29  }
0xb6: {  	v44 =	vld [tilespmem:s15+$0x540];
	v21 =	vmul.f32 v27, v21;
	v25 =	vadd.f32 v26, v25;
	v27 =	vadd.f32 $0.0e+00, v40  }
0xb7: {  	v8 =	vmul.f32 v8, v7;
	v45 =	vld [tilespmem:s15+$0x920];
	v24 =	vadd.f32 v24, v43;
	v23 =	vadd.f32 $0.0e+00, v42  }
0xb8: {  	v46 =	vld [tilespmem:s15+$0xD10];
	v21 =	vadd.f32 v21, v25;
	v31 =	vmul.f32 v39, v4;
	v22 =	vadd.f32 v22, v27  }
0xb9: {  	v48 =	vld [tilespmem:s15+$0xD50];
	v47 =	vmul.f32 v32, v6;
	v14 =	vadd.f32 v14, v24;
	v19 =	vadd.f32 v19, v23  }
0xba: {  	v50 =	vld [tilespmem:s15+$0x940];
	v49 =	vmul.f32 v41, v6;
	v18 =	vadd.f32 v18, v21;
	v12 =	vadd.f32 v12, v22  }
0xbb: {  	v52 =	vld [tilespmem:s15+$0xD20];
	v51 =	vmul.f32 v44, v10;
	v11 =	vadd.f32 v11, v14;
	v17 =	vadd.f32 v17, v19  }
0xbc: {  	v55 =	vld [tilespmem:s15+$0xD00];
	v53 =	vmul.f32 v45, v7;
	v54 =	vadd.f32 v16, v18;
	v12 =	vadd.f32 v15, v12  }
0xbd: {  	v57 =	vld [tilespmem:s15+$0xD60];
	v56 =	vmul.f32 v46, v5;
	v8 =	vadd.f32 v8, v11;
	v10 =	vadd.f32 v51, v17  }
0xbe: {  	v59 =	vld [tilespmem:s15+$0xD40];
	v60 =	vmul.f32 v48, v4;
	v58 =	vadd.f32 v13, v54;
	v7 =	vadd.f32 v53, v12  }
0xbf: {  	v61 =	vmul.f32 v50, v6;
	v8 =	vadd.f32 v47, v8;
	v10 =	vadd.f32 v20, v10  }
0xc0: {  	v14 =	vmul.f32 v52, v5;
	v9 =	vadd.f32 v9, v58;
	v7 =	vadd.f32 v49, v7  }
0xc1: {  	v5 =	vmul.f32 v55, v5;
	v8 =	vadd.f32 v56, v8;
	v6 =	vadd.f32 v61, v10  }
0xc2: {  	v62 =	vmul.f32 v57, v4;
	v9 =	vadd.f32 v31, v9;
	v7 =	vadd.f32 v14, v7  }
0xc3: {  	v4 =	vmul.f32 v59, v4;
	v63 =	vadd.f32 v60, v8;
	v5 =	vadd.f32 v5, v6  }
0xc4: {  	[tilespmem:s14+$0x7930] =	vst v9;
	v7 =	vadd.f32 v62, v7  }
0xc5: {  	s13 =	sadd.s32 $0x1, s13;
	[tilespmem:s14+$0x7910] =	vst v63;
	v4 =	vadd.f32 v4, v5  }
0xc6: {  	p1 =	sne.s32 s13, $0x1F4;
	[tilespmem:s14+$0x7920] =	vst v7  }
.Ltmp2:
0xc7: {  	s1 =	rddreg [dreg:$0x2];
	[tilespmem:s14+$0x7900] =	vst v4;
	(pc) =	sbr.rel @p1 .LBB2_4-.Ltmp2, $4  }
0xc8: {  	[spmem:s1] =	stream.indirect.scatter.add.f32 [tilespmem:s9], [sflag:$0x3], $0x80, s17, s29, $0xb8;
	[tilespmem:$0x1C580] =	vst v63  }
0xc9: {  	_ =	swait.ge [sflag:s16], $0x1400  }
0xca: {  	[sflag:s16] =	ssyncset.done $0x0  }
0xcb: {  	[sflag:s16] =	ssyncadd.s32 $0xFFFFEC00  }
0xcc: {  	[bflag:$0x0] =	sbarrier.arrive $0xFFFF  }
0xcd: {  	s1 =	rddreg [dreg:$0x6]  }
0xce: {  	s4 =	rddreg [dreg:$0x8]  }
0xcf: {  	s12 =	rddreg [dreg:$0x9]  }
0xd0: {  	[hbm:s1], [sflag:s4] =	dma.local @!p0 [spmem:s12], $0x3E80  }
0xd1: {  	s1 =	simm.s32 @!p0 $0x3  }
0xd2: {  	_ =	swait.ge @!p0 [sflag:s1], $0x3E80  }
0xd3: {  	s14 =	rddreg [dreg:$0x4]  }
0xd4: {  	s2 =	rddreg [dreg:$0x7];
	s14 =	sadd.s32 $0x1, s14  }
0xd5: {  	p1 =	sne.s32 s14, s2  }
.Ltmp3:
0xd6: {  	_ = 	snop;
	(pc) =	sbr.rel @p1 .LBB2_1-.Ltmp3, $3  }
0xd7: {  	_ =	sdelay $0x1  }
0xd8: {  	[sflag:s1] =	ssyncset.done @!p0 $0x0  }
0xd9: {  	[sflag:s1] =	ssyncadd.s32 @!p0 $0xFFFFC180  }
0xda: {  	_ =	sfence.sel $0x180000  }
0xdb: {  	[bflag:$0x0] =	sbarrier.arrive $0xFFFF  }
0xdc: {  	_ =	strace $0x9000004A  }
0xdd: {  	s0 =	stileid.u32;
	[bflag:$0x2] =	sbarrier.arrive $0xFFFF  }
0xde: {  	p0 =	sne.s32 s0, $0x0;
	s0 =	rddreg [dreg:$0x3]  }
0xdf: {  	s0 =	sadd.s32 @!p0 $0x100000, s0  }
0xe0: {  	[sflag:s0] =	ssyncadd.tile.s32 @!p0 $0x1;
	_ =	shalt  }
.Lfunc_end2:
_tile_overlayer_lowered:
.L_overlay_start_2:
0xe1: {  	(tag) =	ssettag $0x2  }
0xe2: {  	s0 =	rddreg [dreg:$0x0];
	s2 =	stileid.u32  }
0xe3: {  	s1 =	rddreg [dreg:$0x1];
	p0 =	sne.s32 s2, $0x0  }
0xe4: {  	s3 =	rddreg [dreg:$0x2];
	[bflag:$0x3] =	sbarrier.arrive $0xFFFF;
	s2 =	simm.s32 @!p0 $0x1C03  }
0xe5: {  	[timem:s3], [sflag:s2] =	dma.local @!p0 [hbm:s0], s1  }
0xe6: {  	s0 =	simm.s32 @!p0 $0x3  }
0xe7: {  	_ =	swait.ge @!p0 [sflag:s0], s1  }
0xe8: {  	s1 =	ssub.s32 @!p0 $0x0, s1;
	[sflag:s0] =	ssyncset.done @!p0 $0x0  }
0xe9: {  	[sflag:s0] =	ssyncadd.s32 @!p0 s1  }
0xea: {  	[bflag:$0x3] =	sbarrier.arrive $0xFFFF  }
0xeb: {  	_ =	shalt  }

// kernel: kernel.7.cloned.1.call-start
scs
__scs_entry_jumppad:
0x0: {  	(pc) =	sbr.rel $0x88, $3  }
0x1: {  	(tag) =	ssettag $0x0;
	lr =	simm.s32 $0x1  }
0x2: {  	[smem:$0x3F9B] =	sst lr;
	_ =	strace $0xD0000000  }
0x3: {  	_ = 	snop  }
0x4: {  	_ = 	snop  }
0x5: {  	_ = 	snop  }
0x6: {  	_ = 	snop  }
0x7: {  	_ = 	snop  }
__scs_overlays_trampoline_lowered:
0x8: {  	[smem:$0x3FAA] =	sst s0  }
0x9: {  	[smem:$0x3FAB] =	sst s1  }
0xa: {  	[smem:$0x3FAC] =	sst s2  }
0xb: {  	[smem:$0x3FAD] =	sst s3  }
0xc: {  	[smem:$0x3FAE] =	sst s4  }
0xd: {  	[smem:$0x3FAF] =	sst s5  }
0xe: {  	[smem:$0x3FB0] =	sst s6  }
0xf: {  	[smem:$0x3FB1] =	sst s7  }
0x10: {  	[smem:$0x3FB2] =	sst s8  }
0x11: {  	[smem:$0x3FB3] =	sst s9;
	s0 =	simm.s32 @!p0 $0x0  }
0x12: {  	s1 =	sld [smem:$0x3F99];
	s0 =	simm.s32 @p0 $0x1  }
0x13: {  	[smem:$0x3FB4] =	sst s0;
	s0 =	simm.s32 @!p1 $0x0  }
0x14: {  	s2 =	sld [smem:$0x3F98];
	s0 =	simm.s32 @p1 $0x1  }
0x15: {  	[smem:$0x3FB5] =	sst s0;
	s0 =	simm.s32 @!p2 $0x0  }
0x16: {  	s3 =	sld [smem:$0x3FDB];
	s0 =	simm.s32 @p2 $0x1  }
0x17: {  	s4 =	simm.s32 $0x1BF5;
	[smem:$0x3FB7] =	sst s0  }
0x18: {  	s0 =	sld [smem:$0x3F9A];
	_ =	swait.ge [sflag:s4], $0x0  }
0x19: {  	s7 =	sld [smem:$0x3F9B]  }
0x1a: {  	s8 =	sadd.s32 $0xFFFFE003, lr  }
0x1b: {  	s9 =	sadd.s32 $0xFFFFFEF7, lr;
	s5 =	simm.s32 $0xFFFFFFFF;
	p2 =	slt.u32 s8, $0xFFFFF086  }
0x1c: {  	p1 =	slt.u32 s9, $0xF7A;
	s5 =	simm.s32 @!p2 $0x0  }
0x1d: {  	s5 =	simm.s32 @p1 $0x1;
	p0 =	seq.s32 s7, s2  }
0x1e: {  	s7 =	smul.u32 @!p0 $0xF7A, s2;
	p2 =	seq.s32 @!p0 s5, $0x0  }
0x1f: {  	s9 =	smul.u32 $0xF7A, s1;
	s8 =	simm.s32 @!p0 $0x1BF5;
	p2 =	por !p2, p0  }
0x20: {  	[sflag:s8] =	ssyncset.s32 @!p0 $0xFFFFF086;
	s6 =	sadd.s32 @!p0 s3, s7;
	s7 =	simm.s32 @!p0 $0x108  }
0x21: {  	s3 =	sadd.s32 s3, s9;
	s6 =	sadd.s32 @!p0 $0x88, s6;
	s7 =	simm.s32 @p2 $0x1082  }
0x22: {  	[simem:s7], [sflag:s8] =	dma.local @!p0 [hbm:s6], $0xF7A  }
0x23: {  	s9 =	sor.u32 $0xD0000000, s2;
	s6 =	simm.s32 $0x108;
	_ =	swait.ge @!p0 [sflag:s8], $0x0  }
0x24: {  	s3 =	sadd.s32 $0x88, s3;
	s6 =	simm.s32 @!p1 $0x1082;
	[sflag:s4] =	ssyncset.s32 $0xFFFFF086  }
0x25: {  	[simem:s6], [sflag:s4] =	dma.local [hbm:s3], $0xF7A  }
0x26: {  	[smem:$0x3F9B] =	sst s1;
	(tag) =	ssettag s2;
	_ =	strace s9  }
0x27: {  	s1 =	sld [smem:$0x3FAB]  }
0x28: {  	s2 =	sld [smem:$0x3FAC]  }
0x29: {  	s4 =	sld [smem:$0x3FAE]  }
0x2a: {  	p0 =	seq.s32 s5, $0x0;
	s5 =	sld [smem:$0x3FAF]  }
0x2b: {  	s6 =	sld [smem:$0x3FB0]  }
0x2c: {  	s7 =	sld [smem:$0x3FB1]  }
0x2d: {  	s3 =	simm.s32 $0x108;
	s8 =	sld [smem:$0x3FB2]  }
0x2e: {  	s3 =	simm.s32 @!p0 $0x1082;
	s9 =	sld [smem:$0x3FB3]  }
0x2f: {  	lr =	sadd.s32 s0, s3;
	s0 =	sld [smem:$0x3FAA]  }
0x30: {  	s3 =	sld [smem:$0x3FAD]  }
0x31: {  	[smem:$0x3FB6] =	sst s10  }
0x32: {  	s10 =	sld [smem:$0x3FB4];
	_ =	sdelay $0x3  }
0x33: {  	p0 =	seq.s32 s10, $0x1;
	s10 =	sld [smem:$0x3FB6];
	_ =	sdelay $0x3  }
0x34: {  	[smem:$0x3FB6] =	sst s10  }
0x35: {  	s10 =	sld [smem:$0x3FB5];
	_ =	sdelay $0x3  }
0x36: {  	p1 =	seq.s32 s10, $0x1;
	s10 =	sld [smem:$0x3FB6];
	_ =	sdelay $0x3  }
0x37: {  	[smem:$0x3FB6] =	sst s10  }
0x38: {  	s10 =	sld [smem:$0x3FB7]  }
0x39: {  	_ = 	snop;
	(pc) =	sbr.ind lr, $3  }
0x3a: {  	_ = 	snop  }
0x3b: {  	_ = 	snop  }
0x3c: {  	p2 =	seq.s32 s10, $0x1;
	s10 =	sld [smem:$0x3FB6]  }
0x3d: {  	_ =	shalt  }
0x3e: {  	_ =	shalt  }
0x3f: {  	_ =	shalt  }
0x40: {  	_ =	shalt  }
0x41: {  	_ =	shalt  }
0x42: {  	_ =	shalt  }
0x43: {  	_ =	shalt  }
0x44: {  	_ =	shalt  }
0x45: {  	_ =	shalt  }
0x46: {  	_ =	shalt  }
0x47: {  	_ =	shalt  }
0x48: {  	_ =	shalt  }
0x49: {  	_ =	shalt  }
0x4a: {  	_ =	shalt  }
0x4b: {  	_ =	shalt  }
0x4c: {  	_ =	shalt  }
0x4d: {  	_ =	shalt  }
0x4e: {  	_ =	shalt  }
0x4f: {  	_ =	shalt  }
0x50: {  	_ =	shalt  }
0x51: {  	_ =	shalt  }
0x52: {  	_ =	shalt  }
0x53: {  	_ =	shalt  }
0x54: {  	_ =	shalt  }
0x55: {  	_ =	shalt  }
0x56: {  	_ =	shalt  }
0x57: {  	_ =	shalt  }
0x58: {  	_ =	shalt  }
0x59: {  	_ =	shalt  }
0x5a: {  	_ =	shalt  }
0x5b: {  	_ =	shalt  }
0x5c: {  	_ =	shalt  }
0x5d: {  	_ =	shalt  }
0x5e: {  	_ =	shalt  }
0x5f: {  	_ =	shalt  }
0x60: {  	_ =	shalt  }
0x61: {  	_ =	shalt  }
0x62: {  	_ =	shalt  }
0x63: {  	_ =	shalt  }
0x64: {  	_ =	shalt  }
0x65: {  	_ =	shalt  }
0x66: {  	_ =	shalt  }
0x67: {  	_ =	shalt  }
0x68: {  	_ =	shalt  }
0x69: {  	_ =	shalt  }
0x6a: {  	_ =	shalt  }
0x6b: {  	_ =	shalt  }
0x6c: {  	_ =	shalt  }
0x6d: {  	_ =	shalt  }
0x6e: {  	_ =	shalt  }
0x6f: {  	_ =	shalt  }
0x70: {  	_ =	shalt  }
0x71: {  	_ =	shalt  }
0x72: {  	_ =	shalt  }
0x73: {  	_ =	shalt  }
0x74: {  	_ =	shalt  }
0x75: {  	_ =	shalt  }
0x76: {  	_ =	shalt  }
0x77: {  	_ =	shalt  }
0x78: {  	_ =	shalt  }
0x79: {  	_ =	shalt  }
0x7a: {  	_ =	shalt  }
0x7b: {  	_ =	shalt  }
0x7c: {  	_ =	shalt  }
0x7d: {  	_ =	shalt  }
0x7e: {  	_ =	shalt  }
0x7f: {  	_ =	shalt  }
0x80: {  	_ =	shalt  }
0x81: {  	_ =	shalt  }
0x82: {  	_ =	shalt  }
0x83: {  	_ =	shalt  }
0x84: {  	_ =	shalt  }
0x85: {  	_ =	shalt  }
0x86: {  	_ =	shalt  }
0x87: {  	_ =	shalt  }
.Lfunc_end0:
.L_simem_size_0:
called_computation_lowered:
.L_overlay_start_0:
0x88: {  	s2 =	sld [smem:$0x3FD9]  }
0x89: {  	s3 =	sld [smem:$0x3FFE];
	_ =	sdelay $0x1  }
0x8a: {  	s1 =	srdreg.scid  }
0x8b: {  	s0 =	sand.u32 $0x1, s1  }
0x8c: {  	s17 =	sshll.u32 s0, $0xA;
	s2 =	sadd.s32 s3, s2  }
0x8d: {  	s2 =	sadd.s32 s2, s17  }
0x8e: {  	[smem:$0x3FC2] =	sst s2  }
0x8f: {  	_ = 	snop  }
0x90: {  	s2 =	sld [smem:$0x3FD0];
	(tm) =	ssettm $0x1  }
0x91: {  	s18 =	sld [smem:$0x3FFB];
	_ =	sdelay $0x3  }
0x92: {  	_ =	strace s18  }
0x93: {  	s3 =	sld [smem:$0x3FFC];
	_ =	sdelay $0x3  }
0x94: {  	_ =	strace s3  }
0x95: {  	s3 =	sld [smem:$0x3FFD];
	_ =	sdelay $0x3  }
0x96: {  	_ =	strace s3  }
0x97: {  	_ =	strace $0x8FFFFFFF  }
0x98: {  	s19 =	sld [smem:$0x3FDB];
	_ =	sdelay $0x1  }
0x99: {  	s4 =	simm.s32 $_scs_section_size  }
0x9a: {  	s5 =	simm.s32 $_size__tile_overlayer_lowered;
	s6 =	simm.s32 $_tile_overlayer_lowered  }
0x9b: {  	s22 =	simm.s32 $0x1BFF;
	s21 =	sshll.u32 s6, $0x1;
	s3 =	sadd.s32 s4, s19  }
0x9c: {  	s7 =	simm.s32 $0x0;
	s20 =	sshll.u32 s5, $0x1;
	s5 =	sadd.s32 s21, s3  }
0x9d: {  	[timem:s7], [sflag:s22] =	dma.local [hbm:s5], s20  }
0x9e: {  	_ =	swait.ge [sflag:s22], s20  }
0x9f: {  	s4 =	ssub.s32 $0x0, s20;
	[sflag:s22] =	ssyncset.done $0x0  }
0xa0: {  	[sflag:s22] =	ssyncadd.s32 s4;
	_ =	sdelay $0x1  }
0xa1: {  	s23 =	simm.s32 $0x1B8B  }
0xa2: {  	_ =	swait.ge [sflag:s23], $0x1  }
0xa3: {  	[sflag:s23] =	ssyncset.done $0x0  }
0xa4: {  	s25 =	simm.s32 $0x1B8E;
	s24 =	sld [smem:$0x3FFE];
	[sflag:s23] =	ssyncadd.s32 $0xFFFFFFFF  }
0xa5: {  	s26 =	simm.s32 $execute0_lowered;
	[smem:$0x3FD2] =	sst s25  }
0xa6: {  	s5 =	sshll.u32 s26, $0x1;
	_ =	strace $0x80000046;
	[dreg:$0x1] =	wrdreg $0xFFFFFFFF  }
0xa7: {  	s28 =	simm.s32 $_size_execute0_lowered;
	s3 =	sadd.s32 s3, s5;
	[dreg:$0x0] =	wrdreg $0x0  }
0xa8: {  	s5 =	sshll.u32 s28, $0x1;
	[dreg:$0x2] =	wrdreg s3  }
0xa9: {  	[dreg:$0x3] =	wrdreg s5  }
0xaa: {  	[dreg:$0x4] =	wrdreg $0xC0  }
0xab: {  	_ =	task [dreg:s7], $0x5FFFF  }
0xac: {  	[dreg:$0x1] =	wrdreg $0xFFFFFFFF  }
0xad: {  	[dreg:$0x0] =	wrdreg $0x60  }
0xae: {  	[dreg:$0x2] =	wrdreg s24  }
0xaf: {  	[dreg:$0x3] =	wrdreg s2  }
0xb0: {  	[dreg:$0x4] =	wrdreg $0xA1000  }
0xb1: {  	[dreg:$0x5] =	wrdreg $0x9  }
0xb2: {  	_ =	task.clear_ibuf [dreg:s7], $0x6FFFF;
	_ =	strace $0x90000046  }
0xb3: {  	s29 =	simm.s32 $0x9;
	_ =	strace $0x80000048  }
0xb4: {  	_ =	swait.ge [sflag:s29], $0x1  }
0xb5: {  	[sflag:s29] =	ssyncadd.s32 $0xFFFFFFFF  }
0xb6: {  	_ =	strace $0x90000048  }
0xb7: {  	_ =	sfence  }
0xb8: {  	s30 =	sld [smem:$0x0];
	_ =	sdelay $0x2  }
0xb9: {  	s31 =	sshll.u32 s1, $0xD;
	s1 =	sshrl.u32 s1, $0x2  }
0xba: {  	s3 =	sand.u32 $0x4000, s31;
	s1 =	sadd.s32 s1, s30  }
0xbb: {  	s0 =	sor.u32 s3, s0;
	s1 =	sshll.u32 s1, $0x11  }
0xbc: {  	s0 =	sor.u32 s1, s0  }
0xbd: {  	s0 =	sadd.s32 $0x8F2B, s0  }
0xbe: {  	[sflag:s0] =	ssyncadd.remote.s32 $0x1  }
0xbf: {  	_ =	sfence.sel $0xFFFF  }
0xc0: {  	[dreg:$0x0] =	wrdreg $0xFFFFFFFF;
	(pc) =	sbr.abs _section_cstart, $3  }
0xc1: {  	[dreg:$0x1] =	wrdreg $0xFFFFFFFF  }
0xc2: {  	_ =	task.clear_ibuf [dreg:s7], $0x2FFFF;
	_ =	strace $0x9FFFFFFF  }
0xc3: {  	(tm) =	ssettm $0x7FFFFFFF  }
tec
execute0_lowered:
.L_overlay_start_1:
0x0: {  	(tag) =	ssettag $0x1  }
0x1: {  	s0 =	rddreg [dreg:$0x0]  }
0x2: {  	s2 =	rddreg [dreg:$0x1];
	s13 =	stileid.u32  }
0x3: {  	s1 =	srdreg.scid;
	s3 =	rddreg [dreg:$0x2];
	s4 =	simm.s32 $0x0  }
0x4: {  	s15 =	simm.s32 $0x3;
	s16 =	simm.s32 $0x80;
	s17 =	simm.s32 $0x50  }
0x5: {  	s18 =	simm.s32 $0x100;
	s19 =	simm.s32 $0x2900;
	s20 =	simm.s32 $0x1  }
0x6: {  	s21 =	simm.s32 $0x2;
	s22 =	simm.s32 $0x5100;
	s23 =	simm.s32 $0x7900  }
0x7: {  	s24 =	simm.s32 $0x0;
	s7 =	smul.u32 $0x3E80, s13;
	s1 =	sand.u32 $0x1, s1  }
0x8: {  	[smem:$0x7FF] =	sst s4;
	s9 =	smul.u32 $0x1F400, s13;
	s5 =	sadd.s32 $0xD9800, s0  }
0x9: {  	s6 =	sadd.s32 $0xB2600, s0;
	s11 =	smul.u32 $0x7D000, s13;
	p0 =	sgt.u32 s13, $0x9  }
0xa: {  	s25 =	simm.s32 $0x0;
	s8 =	smul.u32 $0x138800, s1;
	_ =	strace $0x80000047  }
0xb: {  	s30 =	ssub.s32 $0x2, s1;
	s1 =	sshll.u32 s1, $0x4;
	s10 =	sadd.s32 s7, s0  }
0xc: {  	s7 =	sadd.s32 $0x2800, s0;
	s12 =	sshrl.u32 s30, $0x1;
	s11 =	sshrl.u32 s11, $0x2  }
0xd: {  	s1 =	sor.u32 s13, s1;
	s8 =	sadd.s32 s9, s8;
	s12 =	ssub.s32 s30, s12  }
0xe: {  	s14 =	sadd.s32 s11, s3;
	s31 =	sadd.s32 $0x100A00, s10;
	s9 =	sshrl.u32 s8, $0x3  }
0xf: {  	s10 =	smul.u32 $0x4E20, s1;
	s8 =	sadd.s32 $0x175E00, s0;
	s0 =	sadd.s32 s9, s0  }
0x10: {  	[dreg:$0x4] =	wrdreg s31;
	s11 =	sadd.s32 $0x127C00, s0;
	s0 =	sshll.u32 @!p0 s13, $0x6  }
0x11: {  	v0 =	vimm.f32 $0.0e+00;
	s12 =	smax.u32 s12, $0x1;
	s14 =	sshrl.u32 @!p0 s14, $0x3;
	s13 =	sor.u32 @!p0 $0x1C03, s0  }
.LBB2_1:
0x12: {  	s0 =	rddreg [dreg:$0x4]  }
0x13: {  	[spmem:s14], [sflag:s13] =	dma.local @!p0 [hbm:s0], $0x3E80  }
0x14: {  	s0 =	simm.s32 @!p0 $0x3  }
0x15: {  	_ =	swait.ge @!p0 [sflag:s0], $0x3E80  }
0x16: {  	[sflag:s0] =	ssyncset.done @!p0 $0x0  }
0x17: {  	s1 =	simm.s32 $0x200;
	[sflag:s0] =	ssyncadd.s32 @!p0 $0xFFFFC180;
	s0 =	simm.s32 $0x0  }
.LBB2_2:
0x18: {  	p1 =	sne.s32 s1, $0x9E00;
	[tilespmem:s0+$0x7970] =	vst v0  }
0x19: {  	[tilespmem:s0+$0x7900] =	vst v0  }
0x1a: {  	[tilespmem:s0+$0x7910] =	vst v0  }
.Ltmp0:
0x1b: {  	[tilespmem:s0+$0x7920] =	vst v0;
	(pc) =	sbr.rel @p1 .LBB2_2-.Ltmp0, $4  }
0x1c: {  	[tilespmem:s0+$0x7930] =	vst v0  }
0x1d: {  	[tilespmem:s0+$0x7940] =	vst v0  }
0x1e: {  	[tilespmem:s0+$0x7950] =	vst v0  }
0x1f: {  	[tilespmem:s0+$0x7960] =	vst v0;
	s0 =	sshra.s32 s1, $0x2;
	s1 =	sadd.s32 $0x200, s1  }
0x20: {  	[tilespmem:s0+$0x7970] =	vst v0  }
0x21: {  	[tilespmem:s0+$0x7900] =	vst v0  }
0x22: {  	[tilespmem:s0+$0x7910] =	vst v0  }
0x23: {  	[tilespmem:s0+$0x7920] =	vst v0  }
0x24: {  	[tilespmem:s0+$0x7930] =	vst v0  }
0x25: {  	[tilespmem:s0+$0x7940] =	vst v0  }
0x26: {  	[tilespmem:s0+$0x7950] =	vst v0  }
0x27: {  	[tilespmem:s0+$0x7960] =	vst v0  }
0x28: {  	s26 =	simm.s32 $0x0;
	[bflag:$0x0] =	sbarrier.arrive $0xFFFF  }
.LBB2_4:
0x29: {  	s0 =	smul.u32 $0x50, s26;
	_ =	sdelay $0x1  }
0x2a: {  	s28 =	sadd.s32 s10, s0  }
0x2b: {  	s0 =	sshrl.u32 s28, $0x3  }
0x2c: {  	s1 =	sadd.s32 s7, s0  }
0x2d: {  	[tilespmem:s25], [sflag:$0x3] =	stream.linear.gather [hbm4b:s1+s25], $0x50, $0x38;
	[tilespmem:$0x1D980] =	vst v63  }
0x2e: {  	_ =	swait.ge [sflag:s15], $0x50  }
0x2f: {  	[sflag:s15] =	ssyncset.done $0x0  }
0x30: {  	s0 =	sadd.s32 s2, s0;
	[sflag:s15] =	ssyncadd.s32 $0xFFFFFFB0  }
0x31: {  	[tilespmem:s16], [sflag:$0x3] =	stream.linear.gather [hbm4b:s0+s25], $0x50, $0x38;
	[tilespmem:$0x1D980] =	vst v63  }
0x32: {  	_ =	swait.ge [sflag:s15], $0x50  }
0x33: {  	[sflag:s15] =	ssyncset.done $0x0  }
0x34: {  	[sflag:s15] =	ssyncadd.s32 $0xFFFFFFB0  }
0x35: {  	[tilespmem:s18], [sflag:$0x1] =	stream.indirect.gather [hbm4b:s5+s17], $0x80, s25, s17, $0xb8;
	[tilespmem:$0x1D980] =	vst v63  }
0x36: {  	_ = 	snop  }
0x37: {  	[tilespmem:s19], [sflag:$0x2] =	stream.indirect.gather [hbm4b:s6+s17], $0x80, s16, s17, $0xb8;
	[tilespmem:$0x1D980] =	vst v63  }
0x38: {  	_ =	swait.ge [sflag:s20], $0x2800  }
0x39: {  	[sflag:s20] =	ssyncset.done $0x0  }
0x3a: {  	[sflag:s20] =	ssyncadd.s32 $0xFFFFD800  }
0x3b: {  	_ =	swait.ge [sflag:s21], $0x2800  }
0x3c: {  	[sflag:s21] =	ssyncset.done $0x0  }
0x3d: {  	s30 =	simm.s32 $0x0;
	[sflag:s21] =	ssyncadd.s32 $0xFFFFD800  }
0x3e: {  	v1 =	vld [tilespmem:s30+$0x100]  }
0x3f: {  	v2 =	vld [tilespmem:s30+$0x2900];
	_ =	sdelay $0x4  }
0x40: {  	v1 =	vadd.f32 v2, v1  }
0x41: {  	s29 =	simm.s32 $0x80  }
0x42: {  	v3 =	vld [tilespmem:s29+$0x100];
	v2 =	vmul.f32 $2.000000030e-01, v1  }
0x43: {  	v4 =	vld [tilespmem:s29+$0x2900]  }
0x44: {  	v1 =	vmax.f32 v1, v2  }
0x45: {  	s31 =	simm.s32 $0x100;
	v1 =	vmul.f32 $1.442695020e+00, v1  }
0x46: {  	v2 =	vld [tilespmem:s31+$0x100]  }
0x47: {  	(erf) = vpow2.f32 v1;
	v1 =	vld [tilespmem:s31+$0x2900]  }
0x48: {  	v3 =	vadd.f32 v4, v3;
	_ =	sdelay $0x1  }
0x49: {  	v4 =	vmul.f32 $2.000000030e-01, v3;
	_ =	sdelay $0x1  }
0x4a: {  	v5 =	vadd.f32 v1, v2;
	v1 =	vmax.f32 v3, v4  }
0x4b: {  	s1 =	simm.s32 $0x180;
	v2 =	vmul.f32 $1.442695020e+00, v1  }
0x4c: {  	v1 =	vld [tilespmem:s1+$0x100];
	v3 =	vmul.f32 $2.000000030e-01, v5  }
0x4d: {  	(erf) = vpow2.f32 v2;
	v2 =	vld [tilespmem:s1+$0x2900];
	_ =	sdelay $0x2  }
0x4e: {  	s0 =	simm.s32 $0x800;
	v4 =	vmax.f32 v5, v3;
	v3 =	vpop (erf)  }
.LBB2_5:
0x4f: {  	s9 =	sshra.s32 s0, $0x2;
	v4 =	vmul.f32 $1.442695020e+00, v4;
	[tilespmem:s30+$0x7900] =	vst v3;
	p1 =	sne.s32 s0, $0x9E00  }
.Ltmp1:
0x50: {  	s0 =	sadd.s32 $0x200, s0;
	v5 =	vadd.f32 v2, v1;
	v1 =	vld [tilespmem:s9+$0x100];
	[tilespmem:s30+$0x5100] =	vst v3;
	(pc) =	sbr.rel @p1 .LBB2_5-.Ltmp1, $3  }
0x51: {  	s30 =	smov.u32 s29;
	s29 =	smov.u32 s31;
	s31 =	smov.u32 s1;
	v2 =	vld [tilespmem:s9+$0x2900];
	(erf) = vpow2.f32 v4  }
0x52: {  	s1 =	smov.u32 s9;
	v6 =	vmul.f32 $2.000000030e-01, v5;
	_ =	sdelay $0x1  }
0x53: {  	v4 =	vmax.f32 v5, v6;
	v3 =	vpop (erf)  }
0x54: {  	_ = 	snop  }
0x55: {  	v1 =	vadd.f32 v2, v1;
	_ =	sdelay $0x1  }
0x56: {  	v2 =	vmul.f32 $2.000000030e-01, v1  }
0x57: {  	v4 =	vmul.f32 $1.442695020e+00, v4  }
0x58: {  	v1 =	vmax.f32 v1, v2  }
0x59: {  	(erf) = vpow2.f32 v4;
	v1 =	vmul.f32 $1.442695020e+00, v1;
	_ =	sdelay $0x1  }
0x5a: {  	(erf) = vpow2.f32 v1;
	_ =	sdelay $0x3  }
0x5b: {  	[tilespmem:s30+$0x7900] =	vst v3  }
0x5c: {  	[tilespmem:s30+$0x5100] =	vst v3;
	v1 =	vpop (erf)  }
0x5d: {  	[tilespmem:s29+$0x7900] =	vst v1  }
0x5e: {  	[tilespmem:s29+$0x5100] =	vst v1;
	v1 =	vpop (erf)  }
0x5f: {  	[tilespmem:s31+$0x7900] =	vst v1  }
0x60: {  	[tilespmem:s31+$0x5100] =	vst v1;
	v1 =	vpop (erf)  }
0x61: {  	s0 =	sshll.u32 s28, $0x4;
	[tilespmem:s1+$0x7900] =	vst v1  }
0x62: {  	s0 =	sadd.s32 s8, s0;
	[tilespmem:s1+$0x5100] =	vst v1  }
0x63: {  	[hbm4b:s0+s4] =	stream.linear.scatter [tilespmem:s22], [sflag:$0x3], $0x2800, $0x38;
	[tilespmem:$0x1D980] =	vst v63  }
0x64: {  	s26 =	sadd.s32 $0x1, s26;
	_ =	swait.ge [sflag:s15], $0x2800  }
0x65: {  	p1 =	sne.s32 s26, $0xFA;
	[sflag:s15] =	ssyncset.done $0x0  }
.Ltmp2:
0x66: {  	[sflag:s15] =	ssyncadd.s32 $0xFFFFD800;
	(pc) =	sbr.rel @p1 .LBB2_4-.Ltmp2, $4  }
0x67: {  	[spmem:s3] =	stream.indirect.scatter.add.f32 [tilespmem:s23], [sflag:$0x3], $0x80, s16, s17, $0xb8;
	[tilespmem:$0x1D980] =	vst v63  }
0x68: {  	_ =	swait.ge [sflag:s15], $0x2800  }
0x69: {  	[sflag:s15] =	ssyncset.done $0x0  }
0x6a: {  	[sflag:s15] =	ssyncadd.s32 $0xFFFFD800  }
0x6b: {  	s24 =	sadd.s32 $0x1, s24  }
0x6c: {  	p1 =	sne.s32 s24, s12  }
.Ltmp3:
0x6d: {  	[bflag:$0x0] =	sbarrier.arrive $0xFFFF;
	s0 =	simm.s32 @!p0 $0x3;
	(pc) =	sbr.rel @p1 .LBB2_1-.Ltmp3, $4  }
0x6e: {  	[hbm:s11], [sflag:s13] =	dma.local @!p0 [spmem:s14], $0x3E80  }
0x6f: {  	_ =	swait.ge @!p0 [sflag:s0], $0x3E80  }
0x70: {  	[sflag:s0] =	ssyncset.done @!p0 $0x0  }
0x71: {  	[sflag:s0] =	ssyncadd.s32 @!p0 $0xFFFFC180  }
0x72: {  	_ =	sfence.sel $0x180000  }
0x73: {  	[bflag:$0x0] =	sbarrier.arrive $0xFFFF  }
0x74: {  	_ =	strace $0x90000047  }
0x75: {  	s0 =	stileid.u32;
	[bflag:$0x2] =	sbarrier.arrive $0xFFFF  }
0x76: {  	p0 =	sne.s32 s0, $0x0;
	s0 =	rddreg [dreg:$0x3]  }
0x77: {  	s0 =	sadd.s32 @!p0 $0x100000, s0  }
0x78: {  	[sflag:s0] =	ssyncadd.tile.s32 @!p0 $0x1;
	_ =	shalt  }
.Lfunc_end2:
_tile_overlayer_lowered:
.L_overlay_start_2:
0x79: {  	(tag) =	ssettag $0x2  }
0x7a: {  	s0 =	rddreg [dreg:$0x0];
	s2 =	stileid.u32  }
0x7b: {  	s1 =	rddreg [dreg:$0x1];
	p0 =	sne.s32 s2, $0x0  }
0x7c: {  	s3 =	rddreg [dreg:$0x2];
	[bflag:$0x3] =	sbarrier.arrive $0xFFFF;
	s2 =	simm.s32 @!p0 $0x1C03  }
0x7d: {  	[timem:s3], [sflag:s2] =	dma.local @!p0 [hbm:s0], s1  }
0x7e: {  	s0 =	simm.s32 @!p0 $0x3  }
0x7f: {  	_ =	swait.ge @!p0 [sflag:s0], s1  }
0x80: {  	s1 =	ssub.s32 @!p0 $0x0, s1;
	[sflag:s0] =	ssyncset.done @!p0 $0x0  }
0x81: {  	[sflag:s0] =	ssyncadd.s32 @!p0 s1  }
0x82: {  	[bflag:$0x3] =	sbarrier.arrive $0xFFFF  }
0x83: {  	_ =	shalt  }

</sc_bundles>
